<compile_context>
chip_gen: v7x
topology: tpu7x:2x2x1
jax: 0.10.2.dev20260603
libtpu: 0.0.44.dev20260713+nightly
codegen_flags: <defaults>
</compile_context>

<pallas_src>
import functools

import jax
import jax.numpy as jnp
from jax import lax
from jax.experimental import pallas as pl
from jax.experimental.pallas import tpu as pltpu
from jax.experimental.pallas import tpu_sc as plsc

_NUM_ENT = 50000
_NF = 3
_GCN = 128
_DIM = _NF * _GCN
_B = 4096

_NC, _NS = 2, 16
_NW = _NC * _NS
_CH = _B // _NW

_J_OF = (1, 2, 2)


def _build_indices(sub, rel, obj):
    idx = jnp.stack(
        [sub.reshape(_NW, _CH), obj.reshape(_NW, _CH), rel.reshape(_NW, _CH)],
        axis=1,
    ).astype(jnp.int32)

    base = jnp.arange(_B, dtype=jnp.int32)
    obj_dst = jnp.stack([3 * base + t for t in range(3)])
    pinv = [
        jnp.argsort(
            jax.random.permutation(jax.random.fold_in(jax.random.key(123), c), _B)
        ).astype(jnp.int32)
        for c in range(3)
    ]
    yp_dst = jnp.stack([t * _B + pinv[t] for t in range(3)])
    dst = jnp.concatenate(
        [
            obj_dst.reshape(3, _NW, _CH).transpose(1, 0, 2),
            yp_dst.reshape(3, _NW, _CH).transpose(1, 0, 2),
        ],
        axis=1,
    ).astype(jnp.int32)
    return idx, dst


def _sc_gather_body(emb, relt, idx, dst, out_sub, out_obj, out_yp, out_rel,
                    idx_v, dst_v, buf_sub, buf_obj, buf_rel,
                    sem_a, sem_b, sem_c):
    w = lax.axis_index("s") * _NC + lax.axis_index("c")
    pltpu.sync_copy(idx.at[w], idx_v)
    pltpu.sync_copy(dst.at[w], dst_v)

    h_sub = pltpu.async_copy(emb.at[idx_v.at[0]], buf_sub, sem_a)
    h_obj = pltpu.async_copy(emb.at[idx_v.at[1]], buf_obj, sem_b)
    h_rel = pltpu.async_copy(relt.at[idx_v.at[2]], buf_rel, sem_c)

    h_sub.wait()
    pltpu.sync_copy(buf_sub, out_sub.at[pl.ds(w * _CH, _CH)])
    for t in range(3):
        j = _J_OF[t]
        pltpu.async_copy(
            buf_sub.at[:, pl.ds(j * _GCN, _GCN)],
            out_yp.at[dst_v.at[3 + t]],
            sem_a,
        ).wait()

    h_obj.wait()
    for t in range(3):
        pltpu.async_copy(buf_obj, out_obj.at[dst_v.at[t]], sem_b).wait()

    h_rel.wait()
    for t in range(3):
        pltpu.sync_copy(
            buf_rel,
            out_rel.at[pl.ds(w * _CH, _CH), pl.ds(t * _GCN, _GCN)],
        )


@functools.lru_cache(maxsize=1)
def _make_sc_gather():
    return functools.partial(
        pl.kernel,
        out_type=(
            jax.ShapeDtypeStruct((_B, _DIM), jnp.float32),
            jax.ShapeDtypeStruct((_NF * _B, _DIM), jnp.float32),
            jax.ShapeDtypeStruct((3 * _B, _GCN), jnp.float32),
            jax.ShapeDtypeStruct((_B, _DIM), jnp.float32),
        ),
        mesh=plsc.VectorSubcoreMesh(
            core_axis_name="c", subcore_axis_name="s",
            num_cores=_NC, num_subcores=_NS,
        ),
        scratch_types=[
            pltpu.VMEM((3, _CH), jnp.int32),
            pltpu.VMEM((6, _CH), jnp.int32),
            pltpu.VMEM((_CH, _DIM), jnp.float32),
            pltpu.VMEM((_CH, _DIM), jnp.float32),
            pltpu.VMEM((_CH, _GCN), jnp.float32),
            pltpu.SemaphoreType.DMA,
            pltpu.SemaphoreType.DMA,
            pltpu.SemaphoreType.DMA,
        ],
    )(_sc_gather_body)


def _mi_body(sub_ref, yp_ref, w1_ref, b1_ref, w2_ref, b2_ref,
             w3_ref, b3_ref, w4_ref, b4_ref, out_ref):
    hp = None
    mi = jnp.float32(0.0)
    pairs = ((0, 1), (0, 2), (1, 2))
    for cnt, (i, j) in enumerate(pairs):
        xi = sub_ref[:, _GCN * i:_GCN * (i + 1)]
        yj = sub_ref[:, _GCN * j:_GCN * (j + 1)]
        ypc = yp_ref[cnt * _B:(cnt + 1) * _B, :]
        h1 = jnp.maximum(
            jnp.dot(xi, w1_ref[cnt], precision=hp,
                    preferred_element_type=jnp.float32)
            + b1_ref[cnt:cnt + 1, :], 0.0)
        mu = (jnp.dot(h1, w2_ref[cnt], precision=hp,
                      preferred_element_type=jnp.float32)
              + b2_ref[cnt:cnt + 1, :])
        h2 = jnp.maximum(
            jnp.dot(xi, w3_ref[cnt], precision=hp,
                    preferred_element_type=jnp.float32)
            + b3_ref[cnt:cnt + 1, :], 0.0)
        logvar = jnp.tanh(
            jnp.dot(h2, w4_ref[cnt], precision=hp,
                    preferred_element_type=jnp.float32)
            + b4_ref[cnt:cnt + 1, :])
        inv_var = jnp.exp(-logvar)
        positive = -((mu - yj) ** 2) * inv_var
        negative = -((mu - ypc) ** 2) * inv_var
        upper_bound = (positive.sum(axis=-1) - negative.sum(axis=-1)).mean()
        mi = mi + upper_bound / 2.0
    out_ref[...] = mi.reshape(1, 1)


def kernel(init_embed, init_rel, w_mu1, b_mu1, w_mu2, b_mu2,
           w_lv1, b_lv1, w_lv2, b_lv2, sub, rel, obj):
    idx, dst = _build_indices(sub, rel, obj)

    sub_emb, obj_emb, yp, rel_emb = _make_sc_gather()(
        init_embed, init_rel, idx, dst)

    mi = pl.pallas_call(
        _mi_body,
        out_shape=jax.ShapeDtypeStruct((1, 1), jnp.float32),
    )(sub_emb, yp, w_mu1, b_mu1, w_mu2, b_mu2, w_lv1, b_lv1, w_lv2, b_lv2)
    mi_loss = mi[0, 0]

    return (sub_emb, rel_emb, obj_emb, init_embed, mi_loss)

# --- scband reference (transcript-rebuilt; emitter-appended) ---
"""Pipeline reference for scband-capsule-base-51556787421567 (READ-ONLY COPY).

The authoritative reference and input builder live on the scoring server;
editing this copy changes nothing except your own understanding.
"""

import jax, jax.numpy as jnp
import numpy as np

NUM_ENT = 50000
NUM_FACTORS = 3
GCN_DIM = 128
INIT_DIM = NUM_FACTORS * GCN_DIM
NUM_REL = 237
B = 4096
HID = GCN_DIM // 2
NUM_DIS = NUM_FACTORS * (NUM_FACTORS - 1) // 2


def setup_inputs(seed: int = 0):
    key = jax.random.key(seed)
    ks = jax.random.split(key, 16)
    inp = {
        "init_embed": jax.random.normal(ks[0], (NUM_ENT, INIT_DIM), dtype=jnp.float32) * 0.02,
        "init_rel": jax.random.normal(ks[1], (2 * NUM_REL, GCN_DIM), dtype=jnp.float32) * 0.02,
        "w_mu1": jax.random.normal(ks[2], (NUM_DIS, GCN_DIM, HID), dtype=jnp.float32) * 0.05,
        "b_mu1": jax.random.normal(ks[3], (NUM_DIS, HID), dtype=jnp.float32) * 0.05,
        "w_mu2": jax.random.normal(ks[4], (NUM_DIS, HID, GCN_DIM), dtype=jnp.float32) * 0.05,
        "b_mu2": jax.random.normal(ks[5], (NUM_DIS, GCN_DIM), dtype=jnp.float32) * 0.05,
        "w_lv1": jax.random.normal(ks[6], (NUM_DIS, GCN_DIM, HID), dtype=jnp.float32) * 0.05,
        "b_lv1": jax.random.normal(ks[7], (NUM_DIS, HID), dtype=jnp.float32) * 0.05,
        "w_lv2": jax.random.normal(ks[8], (NUM_DIS, HID, GCN_DIM), dtype=jnp.float32) * 0.05,
        "b_lv2": jax.random.normal(ks[9], (NUM_DIS, GCN_DIM), dtype=jnp.float32) * 0.05,
        "sub": jax.random.randint(ks[10], (B,), 0, NUM_ENT, dtype=jnp.int32),
        "rel": jax.random.randint(ks[11], (B,), 0, 2 * NUM_REL, dtype=jnp.int32),
        "obj": jax.random.randint(ks[12], (B,), 0, NUM_ENT, dtype=jnp.int32),
    }
    return inp


def _club_forward(x, y, w1, b1, w2, b2, w3, b3, w4, b4, perm):
    # CLUBSample.forward: mu/logvar MLPs, positive vs shuffled-negative energy
    mu = jnp.maximum(x @ w1 + b1, 0.0) @ w2 + b2
    logvar = jnp.tanh(jnp.maximum(x @ w3 + b3, 0.0) @ w4 + b4)
    inv_var = jnp.exp(-logvar)
    positive = -((mu - y) ** 2) * inv_var
    negative = -((mu - jnp.take(y, perm, axis=0)) ** 2) * inv_var
    upper_bound = (positive.sum(axis=-1) - negative.sum(axis=-1)).mean()
    return upper_bound / 2.0


def reference(init_embed, init_rel, w_mu1, b_mu1, w_mu2, b_mu2, w_lv1, b_lv1, w_lv2, b_lv2, sub, rel, obj):
    # CapsuleBase.forward_base with p.no_enc=True, eval-mode dropout (identity)
    x = init_embed
    sub_emb = jnp.take(x, sub, axis=0)
    rel_emb = jnp.tile(jnp.take(init_rel, rel, axis=0), (1, NUM_FACTORS))
    obj_emb = jnp.tile(jnp.take(x, obj, axis=0), (1, NUM_FACTORS))
    sub_emb = sub_emb.reshape(-1, GCN_DIM * NUM_FACTORS)
    obj_emb = obj_emb.reshape(-1, GCN_DIM * NUM_FACTORS)
    # mi_cal: pairwise CLUB upper bounds between factor slices of sub_emb
    pkey = jax.random.key(123)
    mi_loss = jnp.float32(0.0)
    cnt = 0
    for i in range(NUM_FACTORS):
        for j in range(i + 1, NUM_FACTORS):
            perm = jax.random.permutation(jax.random.fold_in(pkey, cnt), sub_emb.shape[0])
            xi = sub_emb[:, i * GCN_DIM:(i + 1) * GCN_DIM]
            yj = sub_emb[:, j * GCN_DIM:(j + 1) * GCN_DIM]
            mi_loss = mi_loss + _club_forward(xi, yj, w_mu1[cnt], b_mu1[cnt], w_mu2[cnt], b_mu2[cnt], w_lv1[cnt], b_lv1[cnt], w_lv2[cnt], b_lv2[cnt], perm)
            cnt += 1
    return (sub_emb, rel_emb, obj_emb, x, mi_loss)


if False:  # reference __main__ guard neutralized (emitter)
    out = reference(**setup_inputs())
    print([o.shape for o in out[:4]], out[4])

if __name__ == "__main__":
    import jax
    _d = setup_inputs()
    print(jax.jit(kernel)(*tuple(_d.values())))

</pallas_src>

<mosaic_0001>
#map = affine_map<(d0, d1) -> (0, 0)>
#map1 = affine_map<(d0, d1) -> (0, 0, 0)>
module attributes {stable_mosaic.version = 14 : i64} {
  func.func @_sc_gather_body(%arg0: i32, %arg1: i32, %arg2: memref<50000x384xf32, #tpu.memory_space<hbm>>, %arg3: memref<474x128xf32, #tpu.memory_space<hbm>>, %arg4: memref<32x3x128xi32, #tpu.memory_space<hbm>>, %arg5: memref<32x6x128xi32, #tpu.memory_space<hbm>>, %arg6: memref<4096x384xf32, #tpu.memory_space<hbm>>, %arg7: memref<12288x384xf32, #tpu.memory_space<hbm>>, %arg8: memref<12288x128xf32, #tpu.memory_space<hbm>>, %arg9: memref<4096x384xf32, #tpu.memory_space<hbm>>, %arg10: memref<3x128xi32, #tpu.memory_space<vmem>>, %arg11: memref<6x128xi32, #tpu.memory_space<vmem>>, %arg12: memref<128x384xf32, #tpu.memory_space<vmem>>, %arg13: memref<128x384xf32, #tpu.memory_space<vmem>>, %arg14: memref<128x128xf32, #tpu.memory_space<vmem>>, %arg15: memref<!tpu.dma_semaphore, #tpu.memory_space<semaphore_mem>>, %arg16: memref<!tpu.dma_semaphore, #tpu.memory_space<semaphore_mem>>, %arg17: memref<!tpu.dma_semaphore, #tpu.memory_space<semaphore_mem>>) attributes {dimension_semantics = [#tpu.dimension_semantics<core_parallel>, #tpu.dimension_semantics<subcore_parallel>], iteration_bounds = array<i64: 2, 16>, scalar_prefetch = 0 : i64, scratch_operands = 8 : i64, tpu.core_type = #tpu.core_type<sc_vector_subcore>, window_params = [{transform_indices = #map}, {transform_indices = #map}, {transform_indices = #map1}, {transform_indices = #map1}, {transform_indices = #map}, {transform_indices = #map}, {transform_indices = #map}, {transform_indices = #map}]} {
    %mul3A = arith.constant 2 : i32
    %mul3A_0 = arith.muli %arg1, %mul3A : i32
    %add3A = arith.addi %mul3A_0, %arg0 : i32
    "tpu.region"() ({
      %run_scoped3A = tpu.sem_alloc : memref<!tpu.dma_semaphore, #tpu.memory_space<semaphore_mem>>
      %dma_start3A_151 = arith.constant 0 : i32
      %dma_start3A_152 = arith.constant 0 : i32
      %dma_start3A_153 = tpu.memref_slice %arg4[%add3A, %dma_start3A_151, %dma_start3A_152] : memref<32x3x128xi32, #tpu.memory_space<hbm>> -> memref<1x3x128xi32, #tpu.memory_space<hbm>>
      %dma_start3A_154 = tpu.memref_squeeze %dma_start3A_153 : memref<1x3x128xi32, #tpu.memory_space<hbm>> -> memref<3x128xi32, #tpu.memory_space<hbm>>
      %dma_start3A_155 = arith.constant 0 : i32
      %dma_start3A_156 = arith.constant 0 : i32
      %dma_start3A_157 = tpu.memref_slice %arg4[%add3A, %dma_start3A_155, %dma_start3A_156] : memref<32x3x128xi32, #tpu.memory_space<hbm>> -> memref<1x3x128xi32, #tpu.memory_space<hbm>>
      %dma_start3A_158 = tpu.memref_squeeze %dma_start3A_157 : memref<1x3x128xi32, #tpu.memory_space<hbm>> -> memref<3x128xi32, #tpu.memory_space<hbm>>
      tpu.enqueue_dma source(%dma_start3A_158 : memref<3x128xi32, #tpu.memory_space<hbm>>) target(%arg10 : memref<3x128xi32, #tpu.memory_space<vmem>>) target_semaphore(%run_scoped3A : memref<!tpu.dma_semaphore, #tpu.memory_space<semaphore_mem>>)
      %dma_wait3A_159 = arith.constant 0 : i32
      %dma_wait3A_160 = arith.constant 0 : i32
      %dma_wait3A_161 = tpu.memref_slice %arg4[%add3A, %dma_wait3A_159, %dma_wait3A_160] : memref<32x3x128xi32, #tpu.memory_space<hbm>> -> memref<1x3x128xi32, #tpu.memory_space<hbm>>
      %dma_wait3A_162 = tpu.memref_squeeze %dma_wait3A_161 : memref<1x3x128xi32, #tpu.memory_space<hbm>> -> memref<3x128xi32, #tpu.memory_space<hbm>>
      %dma_wait3A_163 = arith.constant 0 : i32
      %dma_wait3A_164 = arith.constant 0 : i32
      %dma_wait3A_165 = tpu.memref_slice %arg4[%add3A, %dma_wait3A_163, %dma_wait3A_164] : memref<32x3x128xi32, #tpu.memory_space<hbm>> -> memref<1x3x128xi32, #tpu.memory_space<hbm>>
      %dma_wait3A_166 = tpu.memref_squeeze %dma_wait3A_165 : memref<1x3x128xi32, #tpu.memory_space<hbm>> -> memref<3x128xi32, #tpu.memory_space<hbm>>
      tpu.wait_dma2 semaphore(%run_scoped3A : memref<!tpu.dma_semaphore, #tpu.memory_space<semaphore_mem>>) src(%dma_wait3A_166 : memref<3x128xi32, #tpu.memory_space<hbm>>) dst(%arg10 : memref<3x128xi32, #tpu.memory_space<vmem>>)
      tpu.yield
    }) : () -> ()
    "tpu.region"() ({
      %run_scoped3A = tpu.sem_alloc : memref<!tpu.dma_semaphore, #tpu.memory_space<semaphore_mem>>
      %dma_start3A_151 = arith.constant 0 : i32
      %dma_start3A_152 = arith.constant 0 : i32
      %dma_start3A_153 = tpu.memref_slice %arg5[%add3A, %dma_start3A_151, %dma_start3A_152] : memref<32x6x128xi32, #tpu.memory_space<hbm>> -> memref<1x6x128xi32, #tpu.memory_space<hbm>>
      %dma_start3A_154 = tpu.memref_squeeze %dma_start3A_153 : memref<1x6x128xi32, #tpu.memory_space<hbm>> -> memref<6x128xi32, #tpu.memory_space<hbm>>
      %dma_start3A_155 = arith.constant 0 : i32
      %dma_start3A_156 = arith.constant 0 : i32
      %dma_start3A_157 = tpu.memref_slice %arg5[%add3A, %dma_start3A_155, %dma_start3A_156] : memref<32x6x128xi32, #tpu.memory_space<hbm>> -> memref<1x6x128xi32, #tpu.memory_space<hbm>>
      %dma_start3A_158 = tpu.memref_squeeze %dma_start3A_157 : memref<1x6x128xi32, #tpu.memory_space<hbm>> -> memref<6x128xi32, #tpu.memory_space<hbm>>
      tpu.enqueue_dma source(%dma_start3A_158 : memref<6x128xi32, #tpu.memory_space<hbm>>) target(%arg11 : memref<6x128xi32, #tpu.memory_space<vmem>>) target_semaphore(%run_scoped3A : memref<!tpu.dma_semaphore, #tpu.memory_space<semaphore_mem>>)
      %dma_wait3A_159 = arith.constant 0 : i32
      %dma_wait3A_160 = arith.constant 0 : i32
      %dma_wait3A_161 = tpu.memref_slice %arg5[%add3A, %dma_wait3A_159, %dma_wait3A_160] : memref<32x6x128xi32, #tpu.memory_space<hbm>> -> memref<1x6x128xi32, #tpu.memory_space<hbm>>
      %dma_wait3A_162 = tpu.memref_squeeze %dma_wait3A_161 : memref<1x6x128xi32, #tpu.memory_space<hbm>> -> memref<6x128xi32, #tpu.memory_space<hbm>>
      %dma_wait3A_163 = arith.constant 0 : i32
      %dma_wait3A_164 = arith.constant 0 : i32
      %dma_wait3A_165 = tpu.memref_slice %arg5[%add3A, %dma_wait3A_163, %dma_wait3A_164] : memref<32x6x128xi32, #tpu.memory_space<hbm>> -> memref<1x6x128xi32, #tpu.memory_space<hbm>>
      %dma_wait3A_166 = tpu.memref_squeeze %dma_wait3A_165 : memref<1x6x128xi32, #tpu.memory_space<hbm>> -> memref<6x128xi32, #tpu.memory_space<hbm>>
      tpu.wait_dma2 semaphore(%run_scoped3A : memref<!tpu.dma_semaphore, #tpu.memory_space<semaphore_mem>>) src(%dma_wait3A_166 : memref<6x128xi32, #tpu.memory_space<hbm>>) dst(%arg11 : memref<6x128xi32, #tpu.memory_space<vmem>>)
      tpu.yield
    }) : () -> ()
    %dma_start3A = arith.constant 0 : i32
    %dma_start3A_1 = arith.constant 0 : i32
    %dma_start3A_2 = tpu.memref_slice %arg10[%dma_start3A, %dma_start3A_1] : memref<3x128xi32, #tpu.memory_space<vmem>> -> memref<1x128xi32, #tpu.memory_space<vmem>>
    %dma_start3A_3 = tpu.memref_squeeze %dma_start3A_2 : memref<1x128xi32, #tpu.memory_space<vmem>> -> memref<128xi32, #tpu.memory_space<vmem>>
    %dma_start3A_4 = arith.constant 0 : i32
    %dma_start3A_5 = arith.constant 0 : i32
    %dma_start3A_6 = tpu.memref_slice %arg2[%dma_start3A_4, %dma_start3A_5] : memref<50000x384xf32, #tpu.memory_space<hbm>> -> memref<50000x384xf32, #tpu.memory_space<hbm>>
    tpu.enqueue_indirect_dma source(%dma_start3A_6 : memref<50000x384xf32, #tpu.memory_space<hbm>>) target(%arg12 : memref<128x384xf32, #tpu.memory_space<vmem>>) offsets(%dma_start3A_3 : memref<128xi32, #tpu.memory_space<vmem>>) semaphore(%arg15 : memref<!tpu.dma_semaphore, #tpu.memory_space<semaphore_mem>>)
    %dma_start3A_7 = arith.constant 1 : i32
    %dma_start3A_8 = arith.constant 0 : i32
    %dma_start3A_9 = tpu.memref_slice %arg10[%dma_start3A_7, %dma_start3A_8] : memref<3x128xi32, #tpu.memory_space<vmem>> -> memref<1x128xi32, #tpu.memory_space<vmem>>
    %dma_start3A_10 = tpu.memref_squeeze %dma_start3A_9 : memref<1x128xi32, #tpu.memory_space<vmem>> -> memref<128xi32, #tpu.memory_space<vmem>>
    %dma_start3A_11 = arith.constant 0 : i32
    %dma_start3A_12 = arith.constant 0 : i32
    %dma_start3A_13 = tpu.memref_slice %arg2[%dma_start3A_11, %dma_start3A_12] : memref<50000x384xf32, #tpu.memory_space<hbm>> -> memref<50000x384xf32, #tpu.memory_space<hbm>>
    tpu.enqueue_indirect_dma source(%dma_start3A_13 : memref<50000x384xf32, #tpu.memory_space<hbm>>) target(%arg13 : memref<128x384xf32, #tpu.memory_space<vmem>>) offsets(%dma_start3A_10 : memref<128xi32, #tpu.memory_space<vmem>>) semaphore(%arg16 : memref<!tpu.dma_semaphore, #tpu.memory_space<semaphore_mem>>)
    %dma_start3A_14 = arith.constant 2 : i32
    %dma_start3A_15 = arith.constant 0 : i32
    %dma_start3A_16 = tpu.memref_slice %arg10[%dma_start3A_14, %dma_start3A_15] : memref<3x128xi32, #tpu.memory_space<vmem>> -> memref<1x128xi32, #tpu.memory_space<vmem>>
    %dma_start3A_17 = tpu.memref_squeeze %dma_start3A_16 : memref<1x128xi32, #tpu.memory_space<vmem>> -> memref<128xi32, #tpu.memory_space<vmem>>
    %dma_start3A_18 = arith.constant 0 : i32
    %dma_start3A_19 = arith.constant 0 : i32
    %dma_start3A_20 = tpu.memref_slice %arg3[%dma_start3A_18, %dma_start3A_19] : memref<474x128xf32, #tpu.memory_space<hbm>> -> memref<474x128xf32, #tpu.memory_space<hbm>>
    tpu.enqueue_indirect_dma source(%dma_start3A_20 : memref<474x128xf32, #tpu.memory_space<hbm>>) target(%arg14 : memref<128x128xf32, #tpu.memory_space<vmem>>) offsets(%dma_start3A_17 : memref<128xi32, #tpu.memory_space<vmem>>) semaphore(%arg17 : memref<!tpu.dma_semaphore, #tpu.memory_space<semaphore_mem>>)
    %dma_wait3A = arith.constant 0 : i32
    %dma_wait3A_21 = arith.constant 0 : i32
    %dma_wait3A_22 = tpu.memref_slice %arg10[%dma_wait3A, %dma_wait3A_21] : memref<3x128xi32, #tpu.memory_space<vmem>> -> memref<1x128xi32, #tpu.memory_space<vmem>>
    %dma_wait3A_23 = tpu.memref_squeeze %dma_wait3A_22 : memref<1x128xi32, #tpu.memory_space<vmem>> -> memref<128xi32, #tpu.memory_space<vmem>>
    %dma_wait3A_24 = arith.constant 0 : i32
    %dma_wait3A_25 = arith.constant 0 : i32
    %dma_wait3A_26 = tpu.memref_slice %arg2[%dma_wait3A_24, %dma_wait3A_25] : memref<50000x384xf32, #tpu.memory_space<hbm>> -> memref<50000x384xf32, #tpu.memory_space<hbm>>
    tpu.wait_indirect_dma semaphore(%arg15 : memref<!tpu.dma_semaphore, #tpu.memory_space<semaphore_mem>>) src(%dma_wait3A_26 : memref<50000x384xf32, #tpu.memory_space<hbm>>) dst(%arg12 : memref<128x384xf32, #tpu.memory_space<vmem>>)
    %mul3A_27 = arith.constant 128 : i32
    %mul3A_28 = arith.muli %add3A, %mul3A_27 : i32
    "tpu.region"() ({
      %run_scoped3A = tpu.sem_alloc : memref<!tpu.dma_semaphore, #tpu.memory_space<semaphore_mem>>
      %dma_start3A_151 = arith.constant 0 : i32
      %dma_start3A_152 = tpu.memref_slice %arg6[%mul3A_28, %dma_start3A_151] : memref<4096x384xf32, #tpu.memory_space<hbm>> -> memref<128x384xf32, #tpu.memory_space<hbm>>
      %dma_start3A_153 = arith.constant 0 : i32
      %dma_start3A_154 = tpu.memref_slice %arg6[%mul3A_28, %dma_start3A_153] : memref<4096x384xf32, #tpu.memory_space<hbm>> -> memref<128x384xf32, #tpu.memory_space<hbm>>
      tpu.enqueue_dma source(%arg12 : memref<128x384xf32, #tpu.memory_space<vmem>>) target(%dma_start3A_154 : memref<128x384xf32, #tpu.memory_space<hbm>>) target_semaphore(%run_scoped3A : memref<!tpu.dma_semaphore, #tpu.memory_space<semaphore_mem>>)
      %dma_wait3A_155 = arith.constant 0 : i32
      %dma_wait3A_156 = tpu.memref_slice %arg6[%mul3A_28, %dma_wait3A_155] : memref<4096x384xf32, #tpu.memory_space<hbm>> -> memref<128x384xf32, #tpu.memory_space<hbm>>
      %dma_wait3A_157 = arith.constant 0 : i32
      %dma_wait3A_158 = tpu.memref_slice %arg6[%mul3A_28, %dma_wait3A_157] : memref<4096x384xf32, #tpu.memory_space<hbm>> -> memref<128x384xf32, #tpu.memory_space<hbm>>
      tpu.wait_dma2 semaphore(%run_scoped3A : memref<!tpu.dma_semaphore, #tpu.memory_space<semaphore_mem>>) src(%arg12 : memref<128x384xf32, #tpu.memory_space<vmem>>) dst(%dma_wait3A_158 : memref<128x384xf32, #tpu.memory_space<hbm>>)
      tpu.yield
    }) : () -> ()
    %dma_start3A_29 = arith.constant 3 : i32
    %dma_start3A_30 = arith.constant 0 : i32
    %dma_start3A_31 = arith.constant 128 : i32
    %dma_start3A_32 = tpu.memref_slice %arg12[%dma_start3A_30, %dma_start3A_31] : memref<128x384xf32, #tpu.memory_space<vmem>> -> memref<128x128xf32, #tpu.memory_space<vmem>>
    %dma_start3A_33 = arith.constant 0 : i32
    %dma_start3A_34 = tpu.memref_slice %arg11[%dma_start3A_29, %dma_start3A_33] : memref<6x128xi32, #tpu.memory_space<vmem>> -> memref<1x128xi32, #tpu.memory_space<vmem>>
    %dma_start3A_35 = tpu.memref_squeeze %dma_start3A_34 : memref<1x128xi32, #tpu.memory_space<vmem>> -> memref<128xi32, #tpu.memory_space<vmem>>
    %dma_start3A_36 = arith.constant 0 : i32
    %dma_start3A_37 = arith.constant 0 : i32
    %dma_start3A_38 = tpu.memref_slice %arg8[%dma_start3A_36, %dma_start3A_37] : memref<12288x128xf32, #tpu.memory_space<hbm>> -> memref<12288x128xf32, #tpu.memory_space<hbm>>
    tpu.enqueue_indirect_dma source(%dma_start3A_32 : memref<128x128xf32, #tpu.memory_space<vmem>>) target(%dma_start3A_38 : memref<12288x128xf32, #tpu.memory_space<hbm>>) offsets(%dma_start3A_35 : memref<128xi32, #tpu.memory_space<vmem>>) semaphore(%arg15 : memref<!tpu.dma_semaphore, #tpu.memory_space<semaphore_mem>>)
    %dma_wait3A_39 = arith.constant 3 : i32
    %dma_wait3A_40 = arith.constant 0 : i32
    %dma_wait3A_41 = arith.constant 128 : i32
    %dma_wait3A_42 = tpu.memref_slice %arg12[%dma_wait3A_40, %dma_wait3A_41] : memref<128x384xf32, #tpu.memory_space<vmem>> -> memref<128x128xf32, #tpu.memory_space<vmem>>
    %dma_wait3A_43 = arith.constant 0 : i32
    %dma_wait3A_44 = tpu.memref_slice %arg11[%dma_wait3A_39, %dma_wait3A_43] : memref<6x128xi32, #tpu.memory_space<vmem>> -> memref<1x128xi32, #tpu.memory_space<vmem>>
    %dma_wait3A_45 = tpu.memref_squeeze %dma_wait3A_44 : memref<1x128xi32, #tpu.memory_space<vmem>> -> memref<128xi32, #tpu.memory_space<vmem>>
    %dma_wait3A_46 = arith.constant 0 : i32
    %dma_wait3A_47 = arith.constant 0 : i32
    %dma_wait3A_48 = tpu.memref_slice %arg8[%dma_wait3A_46, %dma_wait3A_47] : memref<12288x128xf32, #tpu.memory_space<hbm>> -> memref<12288x128xf32, #tpu.memory_space<hbm>>
    tpu.wait_indirect_dma semaphore(%arg15 : memref<!tpu.dma_semaphore, #tpu.memory_space<semaphore_mem>>) src(%dma_wait3A_42 : memref<128x128xf32, #tpu.memory_space<vmem>>) dst(%dma_wait3A_48 : memref<12288x128xf32, #tpu.memory_space<hbm>>)
    %dma_start3A_49 = arith.constant 4 : i32
    %dma_start3A_50 = arith.constant 0 : i32
    %dma_start3A_51 = arith.constant 256 : i32
    %dma_start3A_52 = tpu.memref_slice %arg12[%dma_start3A_50, %dma_start3A_51] : memref<128x384xf32, #tpu.memory_space<vmem>> -> memref<128x128xf32, #tpu.memory_space<vmem>>
    %dma_start3A_53 = arith.constant 0 : i32
    %dma_start3A_54 = tpu.memref_slice %arg11[%dma_start3A_49, %dma_start3A_53] : memref<6x128xi32, #tpu.memory_space<vmem>> -> memref<1x128xi32, #tpu.memory_space<vmem>>
    %dma_start3A_55 = tpu.memref_squeeze %dma_start3A_54 : memref<1x128xi32, #tpu.memory_space<vmem>> -> memref<128xi32, #tpu.memory_space<vmem>>
    %dma_start3A_56 = arith.constant 0 : i32
    %dma_start3A_57 = arith.constant 0 : i32
    %dma_start3A_58 = tpu.memref_slice %arg8[%dma_start3A_56, %dma_start3A_57] : memref<12288x128xf32, #tpu.memory_space<hbm>> -> memref<12288x128xf32, #tpu.memory_space<hbm>>
    tpu.enqueue_indirect_dma source(%dma_start3A_52 : memref<128x128xf32, #tpu.memory_space<vmem>>) target(%dma_start3A_58 : memref<12288x128xf32, #tpu.memory_space<hbm>>) offsets(%dma_start3A_55 : memref<128xi32, #tpu.memory_space<vmem>>) semaphore(%arg15 : memref<!tpu.dma_semaphore, #tpu.memory_space<semaphore_mem>>)
    %dma_wait3A_59 = arith.constant 4 : i32
    %dma_wait3A_60 = arith.constant 0 : i32
    %dma_wait3A_61 = arith.constant 256 : i32
    %dma_wait3A_62 = tpu.memref_slice %arg12[%dma_wait3A_60, %dma_wait3A_61] : memref<128x384xf32, #tpu.memory_space<vmem>> -> memref<128x128xf32, #tpu.memory_space<vmem>>
    %dma_wait3A_63 = arith.constant 0 : i32
    %dma_wait3A_64 = tpu.memref_slice %arg11[%dma_wait3A_59, %dma_wait3A_63] : memref<6x128xi32, #tpu.memory_space<vmem>> -> memref<1x128xi32, #tpu.memory_space<vmem>>
    %dma_wait3A_65 = tpu.memref_squeeze %dma_wait3A_64 : memref<1x128xi32, #tpu.memory_space<vmem>> -> memref<128xi32, #tpu.memory_space<vmem>>
    %dma_wait3A_66 = arith.constant 0 : i32
    %dma_wait3A_67 = arith.constant 0 : i32
    %dma_wait3A_68 = tpu.memref_slice %arg8[%dma_wait3A_66, %dma_wait3A_67] : memref<12288x128xf32, #tpu.memory_space<hbm>> -> memref<12288x128xf32, #tpu.memory_space<hbm>>
    tpu.wait_indirect_dma semaphore(%arg15 : memref<!tpu.dma_semaphore, #tpu.memory_space<semaphore_mem>>) src(%dma_wait3A_62 : memref<128x128xf32, #tpu.memory_space<vmem>>) dst(%dma_wait3A_68 : memref<12288x128xf32, #tpu.memory_space<hbm>>)
    %dma_start3A_69 = arith.constant 5 : i32
    %dma_start3A_70 = arith.constant 0 : i32
    %dma_start3A_71 = arith.constant 256 : i32
    %dma_start3A_72 = tpu.memref_slice %arg12[%dma_start3A_70, %dma_start3A_71] : memref<128x384xf32, #tpu.memory_space<vmem>> -> memref<128x128xf32, #tpu.memory_space<vmem>>
    %dma_start3A_73 = arith.constant 0 : i32
    %dma_start3A_74 = tpu.memref_slice %arg11[%dma_start3A_69, %dma_start3A_73] : memref<6x128xi32, #tpu.memory_space<vmem>> -> memref<1x128xi32, #tpu.memory_space<vmem>>
    %dma_start3A_75 = tpu.memref_squeeze %dma_start3A_74 : memref<1x128xi32, #tpu.memory_space<vmem>> -> memref<128xi32, #tpu.memory_space<vmem>>
    %dma_start3A_76 = arith.constant 0 : i32
    %dma_start3A_77 = arith.constant 0 : i32
    %dma_start3A_78 = tpu.memref_slice %arg8[%dma_start3A_76, %dma_start3A_77] : memref<12288x128xf32, #tpu.memory_space<hbm>> -> memref<12288x128xf32, #tpu.memory_space<hbm>>
    tpu.enqueue_indirect_dma source(%dma_start3A_72 : memref<128x128xf32, #tpu.memory_space<vmem>>) target(%dma_start3A_78 : memref<12288x128xf32, #tpu.memory_space<hbm>>) offsets(%dma_start3A_75 : memref<128xi32, #tpu.memory_space<vmem>>) semaphore(%arg15 : memref<!tpu.dma_semaphore, #tpu.memory_space<semaphore_mem>>)
    %dma_wait3A_79 = arith.constant 5 : i32
    %dma_wait3A_80 = arith.constant 0 : i32
    %dma_wait3A_81 = arith.constant 256 : i32
    %dma_wait3A_82 = tpu.memref_slice %arg12[%dma_wait3A_80, %dma_wait3A_81] : memref<128x384xf32, #tpu.memory_space<vmem>> -> memref<128x128xf32, #tpu.memory_space<vmem>>
    %dma_wait3A_83 = arith.constant 0 : i32
    %dma_wait3A_84 = tpu.memref_slice %arg11[%dma_wait3A_79, %dma_wait3A_83] : memref<6x128xi32, #tpu.memory_space<vmem>> -> memref<1x128xi32, #tpu.memory_space<vmem>>
    %dma_wait3A_85 = tpu.memref_squeeze %dma_wait3A_84 : memref<1x128xi32, #tpu.memory_space<vmem>> -> memref<128xi32, #tpu.memory_space<vmem>>
    %dma_wait3A_86 = arith.constant 0 : i32
    %dma_wait3A_87 = arith.constant 0 : i32
    %dma_wait3A_88 = tpu.memref_slice %arg8[%dma_wait3A_86, %dma_wait3A_87] : memref<12288x128xf32, #tpu.memory_space<hbm>> -> memref<12288x128xf32, #tpu.memory_space<hbm>>
    tpu.wait_indirect_dma semaphore(%arg15 : memref<!tpu.dma_semaphore, #tpu.memory_space<semaphore_mem>>) src(%dma_wait3A_82 : memref<128x128xf32, #tpu.memory_space<vmem>>) dst(%dma_wait3A_88 : memref<12288x128xf32, #tpu.memory_space<hbm>>)
    %dma_wait3A_89 = arith.constant 1 : i32
    %dma_wait3A_90 = arith.constant 0 : i32
    %dma_wait3A_91 = tpu.memref_slice %arg10[%dma_wait3A_89, %dma_wait3A_90] : memref<3x128xi32, #tpu.memory_space<vmem>> -> memref<1x128xi32, #tpu.memory_space<vmem>>
    %dma_wait3A_92 = tpu.memref_squeeze %dma_wait3A_91 : memref<1x128xi32, #tpu.memory_space<vmem>> -> memref<128xi32, #tpu.memory_space<vmem>>
    %dma_wait3A_93 = arith.constant 0 : i32
    %dma_wait3A_94 = arith.constant 0 : i32
    %dma_wait3A_95 = tpu.memref_slice %arg2[%dma_wait3A_93, %dma_wait3A_94] : memref<50000x384xf32, #tpu.memory_space<hbm>> -> memref<50000x384xf32, #tpu.memory_space<hbm>>
    tpu.wait_indirect_dma semaphore(%arg16 : memref<!tpu.dma_semaphore, #tpu.memory_space<semaphore_mem>>) src(%dma_wait3A_95 : memref<50000x384xf32, #tpu.memory_space<hbm>>) dst(%arg13 : memref<128x384xf32, #tpu.memory_space<vmem>>)
    %dma_start3A_96 = arith.constant 0 : i32
    %dma_start3A_97 = arith.constant 0 : i32
    %dma_start3A_98 = tpu.memref_slice %arg11[%dma_start3A_96, %dma_start3A_97] : memref<6x128xi32, #tpu.memory_space<vmem>> -> memref<1x128xi32, #tpu.memory_space<vmem>>
    %dma_start3A_99 = tpu.memref_squeeze %dma_start3A_98 : memref<1x128xi32, #tpu.memory_space<vmem>> -> memref<128xi32, #tpu.memory_space<vmem>>
    %dma_start3A_100 = arith.constant 0 : i32
    %dma_start3A_101 = arith.constant 0 : i32
    %dma_start3A_102 = tpu.memref_slice %arg7[%dma_start3A_100, %dma_start3A_101] : memref<12288x384xf32, #tpu.memory_space<hbm>> -> memref<12288x384xf32, #tpu.memory_space<hbm>>
    tpu.enqueue_indirect_dma source(%arg13 : memref<128x384xf32, #tpu.memory_space<vmem>>) target(%dma_start3A_102 : memref<12288x384xf32, #tpu.memory_space<hbm>>) offsets(%dma_start3A_99 : memref<128xi32, #tpu.memory_space<vmem>>) semaphore(%arg16 : memref<!tpu.dma_semaphore, #tpu.memory_space<semaphore_mem>>)
    %dma_wait3A_103 = arith.constant 0 : i32
    %dma_wait3A_104 = arith.constant 0 : i32
    %dma_wait3A_105 = tpu.memref_slice %arg11[%dma_wait3A_103, %dma_wait3A_104] : memref<6x128xi32, #tpu.memory_space<vmem>> -> memref<1x128xi32, #tpu.memory_space<vmem>>
    %dma_wait3A_106 = tpu.memref_squeeze %dma_wait3A_105 : memref<1x128xi32, #tpu.memory_space<vmem>> -> memref<128xi32, #tpu.memory_space<vmem>>
    %dma_wait3A_107 = arith.constant 0 : i32
    %dma_wait3A_108 = arith.constant 0 : i32
    %dma_wait3A_109 = tpu.memref_slice %arg7[%dma_wait3A_107, %dma_wait3A_108] : memref<12288x384xf32, #tpu.memory_space<hbm>> -> memref<12288x384xf32, #tpu.memory_space<hbm>>
    tpu.wait_indirect_dma semaphore(%arg16 : memref<!tpu.dma_semaphore, #tpu.memory_space<semaphore_mem>>) src(%arg13 : memref<128x384xf32, #tpu.memory_space<vmem>>) dst(%dma_wait3A_109 : memref<12288x384xf32, #tpu.memory_space<hbm>>)
    %dma_start3A_110 = arith.constant 1 : i32
    %dma_start3A_111 = arith.constant 0 : i32
    %dma_start3A_112 = tpu.memref_slice %arg11[%dma_start3A_110, %dma_start3A_111] : memref<6x128xi32, #tpu.memory_space<vmem>> -> memref<1x128xi32, #tpu.memory_space<vmem>>
    %dma_start3A_113 = tpu.memref_squeeze %dma_start3A_112 : memref<1x128xi32, #tpu.memory_space<vmem>> -> memref<128xi32, #tpu.memory_space<vmem>>
    %dma_start3A_114 = arith.constant 0 : i32
    %dma_start3A_115 = arith.constant 0 : i32
    %dma_start3A_116 = tpu.memref_slice %arg7[%dma_start3A_114, %dma_start3A_115] : memref<12288x384xf32, #tpu.memory_space<hbm>> -> memref<12288x384xf32, #tpu.memory_space<hbm>>
    tpu.enqueue_indirect_dma source(%arg13 : memref<128x384xf32, #tpu.memory_space<vmem>>) target(%dma_start3A_116 : memref<12288x384xf32, #tpu.memory_space<hbm>>) offsets(%dma_start3A_113 : memref<128xi32, #tpu.memory_space<vmem>>) semaphore(%arg16 : memref<!tpu.dma_semaphore, #tpu.memory_space<semaphore_mem>>)
    %dma_wait3A_117 = arith.constant 1 : i32
    %dma_wait3A_118 = arith.constant 0 : i32
    %dma_wait3A_119 = tpu.memref_slice %arg11[%dma_wait3A_117, %dma_wait3A_118] : memref<6x128xi32, #tpu.memory_space<vmem>> -> memref<1x128xi32, #tpu.memory_space<vmem>>
    %dma_wait3A_120 = tpu.memref_squeeze %dma_wait3A_119 : memref<1x128xi32, #tpu.memory_space<vmem>> -> memref<128xi32, #tpu.memory_space<vmem>>
    %dma_wait3A_121 = arith.constant 0 : i32
    %dma_wait3A_122 = arith.constant 0 : i32
    %dma_wait3A_123 = tpu.memref_slice %arg7[%dma_wait3A_121, %dma_wait3A_122] : memref<12288x384xf32, #tpu.memory_space<hbm>> -> memref<12288x384xf32, #tpu.memory_space<hbm>>
    tpu.wait_indirect_dma semaphore(%arg16 : memref<!tpu.dma_semaphore, #tpu.memory_space<semaphore_mem>>) src(%arg13 : memref<128x384xf32, #tpu.memory_space<vmem>>) dst(%dma_wait3A_123 : memref<12288x384xf32, #tpu.memory_space<hbm>>)
    %dma_start3A_124 = arith.constant 2 : i32
    %dma_start3A_125 = arith.constant 0 : i32
    %dma_start3A_126 = tpu.memref_slice %arg11[%dma_start3A_124, %dma_start3A_125] : memref<6x128xi32, #tpu.memory_space<vmem>> -> memref<1x128xi32, #tpu.memory_space<vmem>>
    %dma_start3A_127 = tpu.memref_squeeze %dma_start3A_126 : memref<1x128xi32, #tpu.memory_space<vmem>> -> memref<128xi32, #tpu.memory_space<vmem>>
    %dma_start3A_128 = arith.constant 0 : i32
    %dma_start3A_129 = arith.constant 0 : i32
    %dma_start3A_130 = tpu.memref_slice %arg7[%dma_start3A_128, %dma_start3A_129] : memref<12288x384xf32, #tpu.memory_space<hbm>> -> memref<12288x384xf32, #tpu.memory_space<hbm>>
    tpu.enqueue_indirect_dma source(%arg13 : memref<128x384xf32, #tpu.memory_space<vmem>>) target(%dma_start3A_130 : memref<12288x384xf32, #tpu.memory_space<hbm>>) offsets(%dma_start3A_127 : memref<128xi32, #tpu.memory_space<vmem>>) semaphore(%arg16 : memref<!tpu.dma_semaphore, #tpu.memory_space<semaphore_mem>>)
    %dma_wait3A_131 = arith.constant 2 : i32
    %dma_wait3A_132 = arith.constant 0 : i32
    %dma_wait3A_133 = tpu.memref_slice %arg11[%dma_wait3A_131, %dma_wait3A_132] : memref<6x128xi32, #tpu.memory_space<vmem>> -> memref<1x128xi32, #tpu.memory_space<vmem>>
    %dma_wait3A_134 = tpu.memref_squeeze %dma_wait3A_133 : memref<1x128xi32, #tpu.memory_space<vmem>> -> memref<128xi32, #tpu.memory_space<vmem>>
    %dma_wait3A_135 = arith.constant 0 : i32
    %dma_wait3A_136 = arith.constant 0 : i32
    %dma_wait3A_137 = tpu.memref_slice %arg7[%dma_wait3A_135, %dma_wait3A_136] : memref<12288x384xf32, #tpu.memory_space<hbm>> -> memref<12288x384xf32, #tpu.memory_space<hbm>>
    tpu.wait_indirect_dma semaphore(%arg16 : memref<!tpu.dma_semaphore, #tpu.memory_space<semaphore_mem>>) src(%arg13 : memref<128x384xf32, #tpu.memory_space<vmem>>) dst(%dma_wait3A_137 : memref<12288x384xf32, #tpu.memory_space<hbm>>)
    %dma_wait3A_138 = arith.constant 2 : i32
    %dma_wait3A_139 = arith.constant 0 : i32
    %dma_wait3A_140 = tpu.memref_slice %arg10[%dma_wait3A_138, %dma_wait3A_139] : memref<3x128xi32, #tpu.memory_space<vmem>> -> memref<1x128xi32, #tpu.memory_space<vmem>>
    %dma_wait3A_141 = tpu.memref_squeeze %dma_wait3A_140 : memref<1x128xi32, #tpu.memory_space<vmem>> -> memref<128xi32, #tpu.memory_space<vmem>>
    %dma_wait3A_142 = arith.constant 0 : i32
    %dma_wait3A_143 = arith.constant 0 : i32
    %dma_wait3A_144 = tpu.memref_slice %arg3[%dma_wait3A_142, %dma_wait3A_143] : memref<474x128xf32, #tpu.memory_space<hbm>> -> memref<474x128xf32, #tpu.memory_space<hbm>>
    tpu.wait_indirect_dma semaphore(%arg17 : memref<!tpu.dma_semaphore, #tpu.memory_space<semaphore_mem>>) src(%dma_wait3A_144 : memref<474x128xf32, #tpu.memory_space<hbm>>) dst(%arg14 : memref<128x128xf32, #tpu.memory_space<vmem>>)
    %mul3A_145 = arith.constant 128 : i32
    %mul3A_146 = arith.muli %add3A, %mul3A_145 : i32
    "tpu.region"() ({
      %run_scoped3A = tpu.sem_alloc : memref<!tpu.dma_semaphore, #tpu.memory_space<semaphore_mem>>
      %dma_start3A_151 = arith.constant 0 : i32
      %dma_start3A_152 = tpu.memref_slice %arg9[%mul3A_146, %dma_start3A_151] : memref<4096x384xf32, #tpu.memory_space<hbm>> -> memref<128x128xf32, #tpu.memory_space<hbm>>
      %dma_start3A_153 = arith.constant 0 : i32
      %dma_start3A_154 = tpu.memref_slice %arg9[%mul3A_146, %dma_start3A_153] : memref<4096x384xf32, #tpu.memory_space<hbm>> -> memref<128x128xf32, #tpu.memory_space<hbm>>
      tpu.enqueue_dma source(%arg14 : memref<128x128xf32, #tpu.memory_space<vmem>>) target(%dma_start3A_154 : memref<128x128xf32, #tpu.memory_space<hbm>>) target_semaphore(%run_scoped3A : memref<!tpu.dma_semaphore, #tpu.memory_space<semaphore_mem>>)
      %dma_wait3A_155 = arith.constant 0 : i32
      %dma_wait3A_156 = tpu.memref_slice %arg9[%mul3A_146, %dma_wait3A_155] : memref<4096x384xf32, #tpu.memory_space<hbm>> -> memref<128x128xf32, #tpu.memory_space<hbm>>
      %dma_wait3A_157 = arith.constant 0 : i32
      %dma_wait3A_158 = tpu.memref_slice %arg9[%mul3A_146, %dma_wait3A_157] : memref<4096x384xf32, #tpu.memory_space<hbm>> -> memref<128x128xf32, #tpu.memory_space<hbm>>
      tpu.wait_dma2 semaphore(%run_scoped3A : memref<!tpu.dma_semaphore, #tpu.memory_space<semaphore_mem>>) src(%arg14 : memref<128x128xf32, #tpu.memory_space<vmem>>) dst(%dma_wait3A_158 : memref<128x128xf32, #tpu.memory_space<hbm>>)
      tpu.yield
    }) : () -> ()
    %mul3A_147 = arith.constant 128 : i32
    %mul3A_148 = arith.muli %add3A, %mul3A_147 : i32
    "tpu.region"() ({
      %run_scoped3A = tpu.sem_alloc : memref<!tpu.dma_semaphore, #tpu.memory_space<semaphore_mem>>
      %dma_start3A_151 = arith.constant 128 : i32
      %dma_start3A_152 = tpu.memref_slice %arg9[%mul3A_148, %dma_start3A_151] : memref<4096x384xf32, #tpu.memory_space<hbm>> -> memref<128x128xf32, #tpu.memory_space<hbm>>
      %dma_start3A_153 = arith.constant 128 : i32
      %dma_start3A_154 = tpu.memref_slice %arg9[%mul3A_148, %dma_start3A_153] : memref<4096x384xf32, #tpu.memory_space<hbm>> -> memref<128x128xf32, #tpu.memory_space<hbm>>
      tpu.enqueue_dma source(%arg14 : memref<128x128xf32, #tpu.memory_space<vmem>>) target(%dma_start3A_154 : memref<128x128xf32, #tpu.memory_space<hbm>>) target_semaphore(%run_scoped3A : memref<!tpu.dma_semaphore, #tpu.memory_space<semaphore_mem>>)
      %dma_wait3A_155 = arith.constant 128 : i32
      %dma_wait3A_156 = tpu.memref_slice %arg9[%mul3A_148, %dma_wait3A_155] : memref<4096x384xf32, #tpu.memory_space<hbm>> -> memref<128x128xf32, #tpu.memory_space<hbm>>
      %dma_wait3A_157 = arith.constant 128 : i32
      %dma_wait3A_158 = tpu.memref_slice %arg9[%mul3A_148, %dma_wait3A_157] : memref<4096x384xf32, #tpu.memory_space<hbm>> -> memref<128x128xf32, #tpu.memory_space<hbm>>
      tpu.wait_dma2 semaphore(%run_scoped3A : memref<!tpu.dma_semaphore, #tpu.memory_space<semaphore_mem>>) src(%arg14 : memref<128x128xf32, #tpu.memory_space<vmem>>) dst(%dma_wait3A_158 : memref<128x128xf32, #tpu.memory_space<hbm>>)
      tpu.yield
    }) : () -> ()
    %mul3A_149 = arith.constant 128 : i32
    %mul3A_150 = arith.muli %add3A, %mul3A_149 : i32
    "tpu.region"() ({
      %run_scoped3A = tpu.sem_alloc : memref<!tpu.dma_semaphore, #tpu.memory_space<semaphore_mem>>
      %dma_start3A_151 = arith.constant 256 : i32
      %dma_start3A_152 = tpu.memref_slice %arg9[%mul3A_150, %dma_start3A_151] : memref<4096x384xf32, #tpu.memory_space<hbm>> -> memref<128x128xf32, #tpu.memory_space<hbm>>
      %dma_start3A_153 = arith.constant 256 : i32
      %dma_start3A_154 = tpu.memref_slice %arg9[%mul3A_150, %dma_start3A_153] : memref<4096x384xf32, #tpu.memory_space<hbm>> -> memref<128x128xf32, #tpu.memory_space<hbm>>
      tpu.enqueue_dma source(%arg14 : memref<128x128xf32, #tpu.memory_space<vmem>>) target(%dma_start3A_154 : memref<128x128xf32, #tpu.memory_space<hbm>>) target_semaphore(%run_scoped3A : memref<!tpu.dma_semaphore, #tpu.memory_space<semaphore_mem>>)
      %dma_wait3A_155 = arith.constant 256 : i32
      %dma_wait3A_156 = tpu.memref_slice %arg9[%mul3A_150, %dma_wait3A_155] : memref<4096x384xf32, #tpu.memory_space<hbm>> -> memref<128x128xf32, #tpu.memory_space<hbm>>
      %dma_wait3A_157 = arith.constant 256 : i32
      %dma_wait3A_158 = tpu.memref_slice %arg9[%mul3A_150, %dma_wait3A_157] : memref<4096x384xf32, #tpu.memory_space<hbm>> -> memref<128x128xf32, #tpu.memory_space<hbm>>
      tpu.wait_dma2 semaphore(%run_scoped3A : memref<!tpu.dma_semaphore, #tpu.memory_space<semaphore_mem>>) src(%arg14 : memref<128x128xf32, #tpu.memory_space<vmem>>) dst(%dma_wait3A_158 : memref<128x128xf32, #tpu.memory_space<hbm>>)
      tpu.yield
    }) : () -> ()
    return
  }
}

module attributes {stable_mosaic.version = 14 : i64} {
  func.func @_mi_body(%arg0: memref<4096x384xf32, #tpu.memory_space<vmem>>, %arg1: memref<12288x128xf32, #tpu.memory_space<vmem>>, %arg2: memref<3x128x64xf32, #tpu.memory_space<vmem>>, %arg3: memref<3x64xf32, #tpu.memory_space<vmem>>, %arg4: memref<3x64x128xf32, #tpu.memory_space<vmem>>, %arg5: memref<3x128xf32, #tpu.memory_space<vmem>>, %arg6: memref<3x128x64xf32, #tpu.memory_space<vmem>>, %arg7: memref<3x64xf32, #tpu.memory_space<vmem>>, %arg8: memref<3x64x128xf32, #tpu.memory_space<vmem>>, %arg9: memref<3x128xf32, #tpu.memory_space<vmem>>, %arg10: memref<1x1xf32, #tpu.memory_space<vmem>>) attributes {dimension_semantics = [], scalar_prefetch = 0 : i64, scratch_operands = 0 : i64, tpu.core_type = #tpu.core_type<tc>} {
    %get3A = arith.constant 0 : index
    %get3A_0 = arith.constant 0 : index
    %get3A_1 = vector.load %arg0[%get3A, %get3A_0] : memref<4096x384xf32, #tpu.memory_space<vmem>>, vector<4096x128xf32>
    %get3A_2 = arith.constant 0 : index
    %get3A_3 = arith.constant 128 : index
    %get3A_4 = vector.load %arg0[%get3A_2, %get3A_3] : memref<4096x384xf32, #tpu.memory_space<vmem>>, vector<4096x128xf32>
    %get3A_5 = arith.constant 0 : index
    %get3A_6 = arith.constant 0 : index
    %get3A_7 = vector.load %arg1[%get3A_5, %get3A_6] : memref<12288x128xf32, #tpu.memory_space<vmem>>, vector<4096x128xf32>
    %get3A_8 = arith.constant 0 : index
    %get3A_9 = arith.constant 0 : index
    %get3A_10 = arith.constant 0 : index
    %get3A_11 = vector.load %arg2[%get3A_8, %get3A_9, %get3A_10] : memref<3x128x64xf32, #tpu.memory_space<vmem>>, vector<1x128x64xf32>
    %get3A_12 = vector.shape_cast %get3A_11 : vector<1x128x64xf32> to vector<128x64xf32>
    %dot_general3A = arith.constant dense<0.000000e+00> : vector<4096x64xf32>
    %dot_general3A_13 = tpu.matmul %get3A_1, %get3A_12, %dot_general3A {dimension_numbers = #tpu.dot_dimension_numbers<[1], [0], [0], [1], [0, 0, 1, 1], [], []>, transpose_lhs_hint = false} : vector<4096x128xf32>, vector<128x64xf32>, vector<4096x64xf32> -> vector<4096x64xf32>
    %get3A_14 = arith.constant 0 : index
    %get3A_15 = arith.constant 0 : index
    %get3A_16 = vector.load %arg3[%get3A_14, %get3A_15] : memref<3x64xf32, #tpu.memory_space<vmem>>, vector<1x64xf32>
    %add3A = vector.broadcast %get3A_16 : vector<1x64xf32> to vector<4096x64xf32>
    %add3A_17 = arith.addf %dot_general3A_13, %add3A : vector<4096x64xf32>
    %max3A = arith.constant 0.000000e+00 : f32
    %max3A_18 = vector.broadcast %max3A : f32 to vector<4096x64xf32>
    %max3A_19 = arith.maximumf %add3A_17, %max3A_18 : vector<4096x64xf32>
    %get3A_20 = arith.constant 0 : index
    %get3A_21 = arith.constant 0 : index
    %get3A_22 = arith.constant 0 : index
    %get3A_23 = vector.load %arg4[%get3A_20, %get3A_21, %get3A_22] : memref<3x64x128xf32, #tpu.memory_space<vmem>>, vector<1x64x128xf32>
    %get3A_24 = vector.shape_cast %get3A_23 : vector<1x64x128xf32> to vector<64x128xf32>
    %dot_general3A_25 = arith.constant dense<0.000000e+00> : vector<4096x128xf32>
    %dot_general3A_26 = tpu.matmul %max3A_19, %get3A_24, %dot_general3A_25 {dimension_numbers = #tpu.dot_dimension_numbers<[1], [0], [0], [1], [0, 0, 1, 1], [], []>, transpose_lhs_hint = false} : vector<4096x64xf32>, vector<64x128xf32>, vector<4096x128xf32> -> vector<4096x128xf32>
    %get3A_27 = arith.constant 0 : index
    %get3A_28 = arith.constant 0 : index
    %get3A_29 = vector.load %arg5[%get3A_27, %get3A_28] : memref<3x128xf32, #tpu.memory_space<vmem>>, vector<1x128xf32>
    %add3A_30 = vector.broadcast %get3A_29 : vector<1x128xf32> to vector<4096x128xf32>
    %add3A_31 = arith.addf %dot_general3A_26, %add3A_30 : vector<4096x128xf32>
    %get3A_32 = arith.constant 0 : index
    %get3A_33 = arith.constant 0 : index
    %get3A_34 = arith.constant 0 : index
    %get3A_35 = vector.load %arg6[%get3A_32, %get3A_33, %get3A_34] : memref<3x128x64xf32, #tpu.memory_space<vmem>>, vector<1x128x64xf32>
    %get3A_36 = vector.shape_cast %get3A_35 : vector<1x128x64xf32> to vector<128x64xf32>
    %dot_general3A_37 = arith.constant dense<0.000000e+00> : vector<4096x64xf32>
    %dot_general3A_38 = tpu.matmul %get3A_1, %get3A_36, %dot_general3A_37 {dimension_numbers = #tpu.dot_dimension_numbers<[1], [0], [0], [1], [0, 0, 1, 1], [], []>, transpose_lhs_hint = false} : vector<4096x128xf32>, vector<128x64xf32>, vector<4096x64xf32> -> vector<4096x64xf32>
    %get3A_39 = arith.constant 0 : index
    %get3A_40 = arith.constant 0 : index
    %get3A_41 = vector.load %arg7[%get3A_39, %get3A_40] : memref<3x64xf32, #tpu.memory_space<vmem>>, vector<1x64xf32>
    %add3A_42 = vector.broadcast %get3A_41 : vector<1x64xf32> to vector<4096x64xf32>
    %add3A_43 = arith.addf %dot_general3A_38, %add3A_42 : vector<4096x64xf32>
    %max3A_44 = arith.constant 0.000000e+00 : f32
    %max3A_45 = vector.broadcast %max3A_44 : f32 to vector<4096x64xf32>
    %max3A_46 = arith.maximumf %add3A_43, %max3A_45 : vector<4096x64xf32>
    %get3A_47 = arith.constant 0 : index
    %get3A_48 = arith.constant 0 : index
    %get3A_49 = arith.constant 0 : index
    %get3A_50 = vector.load %arg8[%get3A_47, %get3A_48, %get3A_49] : memref<3x64x128xf32, #tpu.memory_space<vmem>>, vector<1x64x128xf32>
    %get3A_51 = vector.shape_cast %get3A_50 : vector<1x64x128xf32> to vector<64x128xf32>
    %dot_general3A_52 = arith.constant dense<0.000000e+00> : vector<4096x128xf32>
    %dot_general3A_53 = tpu.matmul %max3A_46, %get3A_51, %dot_general3A_52 {dimension_numbers = #tpu.dot_dimension_numbers<[1], [0], [0], [1], [0, 0, 1, 1], [], []>, transpose_lhs_hint = false} : vector<4096x64xf32>, vector<64x128xf32>, vector<4096x128xf32> -> vector<4096x128xf32>
    %get3A_54 = arith.constant 0 : index
    %get3A_55 = arith.constant 0 : index
    %get3A_56 = vector.load %arg9[%get3A_54, %get3A_55] : memref<3x128xf32, #tpu.memory_space<vmem>>, vector<1x128xf32>
    %add3A_57 = vector.broadcast %get3A_56 : vector<1x128xf32> to vector<4096x128xf32>
    %add3A_58 = arith.addf %dot_general3A_53, %add3A_57 : vector<4096x128xf32>
    %tanh3A = math.tanh %add3A_58 : vector<4096x128xf32>
    %neg3A = arith.constant 0.000000e+00 : f32
    %neg3A_59 = vector.broadcast %neg3A : f32 to vector<4096x128xf32>
    %neg3A_60 = arith.subf %neg3A_59, %tanh3A : vector<4096x128xf32>
    %exp3A = math.exp %neg3A_60 : vector<4096x128xf32>
    %sub3A = arith.subf %add3A_31, %get3A_4 : vector<4096x128xf32>
    %integer_pow3A = arith.mulf %sub3A, %sub3A : vector<4096x128xf32>
    %neg3A_61 = arith.constant 0.000000e+00 : f32
    %neg3A_62 = vector.broadcast %neg3A_61 : f32 to vector<4096x128xf32>
    %neg3A_63 = arith.subf %neg3A_62, %integer_pow3A : vector<4096x128xf32>
    %mul3A = arith.mulf %neg3A_63, %exp3A : vector<4096x128xf32>
    %sub3A_64 = arith.subf %add3A_31, %get3A_7 : vector<4096x128xf32>
    %integer_pow3A_65 = arith.mulf %sub3A_64, %sub3A_64 : vector<4096x128xf32>
    %neg3A_66 = arith.constant 0.000000e+00 : f32
    %neg3A_67 = vector.broadcast %neg3A_66 : f32 to vector<4096x128xf32>
    %neg3A_68 = arith.subf %neg3A_67, %integer_pow3A_65 : vector<4096x128xf32>
    %mul3A_69 = arith.mulf %neg3A_68, %exp3A : vector<4096x128xf32>
    %reduce_sum3A = arith.constant dense<0.000000e+00> : vector<4096xf32>
    %reduce_sum3A_70 = vector.multi_reduction <add>, %mul3A, %reduce_sum3A [1] : vector<4096x128xf32> to vector<4096xf32>
    %reduce_sum3A_71 = arith.constant dense<0.000000e+00> : vector<4096xf32>
    %reduce_sum3A_72 = vector.multi_reduction <add>, %mul3A_69, %reduce_sum3A_71 [1] : vector<4096x128xf32> to vector<4096xf32>
    %sub3A_73 = arith.subf %reduce_sum3A_70, %reduce_sum3A_72 : vector<4096xf32>
    %reduce_sum3A_74 = vector.shape_cast %sub3A_73 : vector<4096xf32> to vector<1x4096xf32>
    %reduce_sum3A_75 = arith.constant dense<0.000000e+00> : vector<1xf32>
    %reduce_sum3A_76 = vector.multi_reduction <add>, %reduce_sum3A_74, %reduce_sum3A_75 [1] : vector<1x4096xf32> to vector<1xf32>
    %reduce_sum3A_77 = vector.shape_cast %reduce_sum3A_76 : vector<1xf32> to vector<1x1xf32>
    %reduce_sum3A_78 = vector.extract %reduce_sum3A_77[0, 0] : f32 from vector<1x1xf32>
    %div3A = arith.constant 4.096000e+03 : f32
    %div3A_79 = arith.divf %reduce_sum3A_78, %div3A : f32
    %div3A_80 = arith.constant 2.000000e+00 : f32
    %div3A_81 = arith.divf %div3A_79, %div3A_80 : f32
    %add3A_82 = arith.constant 0.000000e+00 : f32
    %add3A_83 = arith.addf %add3A_82, %div3A_81 : f32
    %get3A_84 = arith.constant 0 : index
    %get3A_85 = arith.constant 0 : index
    %get3A_86 = vector.load %arg0[%get3A_84, %get3A_85] : memref<4096x384xf32, #tpu.memory_space<vmem>>, vector<4096x128xf32>
    %get3A_87 = arith.constant 0 : index
    %get3A_88 = arith.constant 256 : index
    %get3A_89 = vector.load %arg0[%get3A_87, %get3A_88] : memref<4096x384xf32, #tpu.memory_space<vmem>>, vector<4096x128xf32>
    %get3A_90 = arith.constant 4096 : index
    %get3A_91 = arith.constant 0 : index
    %get3A_92 = vector.load %arg1[%get3A_90, %get3A_91] : memref<12288x128xf32, #tpu.memory_space<vmem>>, vector<4096x128xf32>
    %get3A_93 = arith.constant 1 : index
    %get3A_94 = arith.constant 0 : index
    %get3A_95 = arith.constant 0 : index
    %get3A_96 = vector.load %arg2[%get3A_93, %get3A_94, %get3A_95] : memref<3x128x64xf32, #tpu.memory_space<vmem>>, vector<1x128x64xf32>
    %get3A_97 = vector.shape_cast %get3A_96 : vector<1x128x64xf32> to vector<128x64xf32>
    %dot_general3A_98 = arith.constant dense<0.000000e+00> : vector<4096x64xf32>
    %dot_general3A_99 = tpu.matmul %get3A_86, %get3A_97, %dot_general3A_98 {dimension_numbers = #tpu.dot_dimension_numbers<[1], [0], [0], [1], [0, 0, 1, 1], [], []>, transpose_lhs_hint = false} : vector<4096x128xf32>, vector<128x64xf32>, vector<4096x64xf32> -> vector<4096x64xf32>
    %get3A_100 = arith.constant 1 : index
    %get3A_101 = arith.constant 0 : index
    %get3A_102 = vector.load %arg3[%get3A_100, %get3A_101] : memref<3x64xf32, #tpu.memory_space<vmem>>, vector<1x64xf32>
    %add3A_103 = vector.broadcast %get3A_102 : vector<1x64xf32> to vector<4096x64xf32>
    %add3A_104 = arith.addf %dot_general3A_99, %add3A_103 : vector<4096x64xf32>
    %max3A_105 = arith.constant 0.000000e+00 : f32
    %max3A_106 = vector.broadcast %max3A_105 : f32 to vector<4096x64xf32>
    %max3A_107 = arith.maximumf %add3A_104, %max3A_106 : vector<4096x64xf32>
    %get3A_108 = arith.constant 1 : index
    %get3A_109 = arith.constant 0 : index
    %get3A_110 = arith.constant 0 : index
    %get3A_111 = vector.load %arg4[%get3A_108, %get3A_109, %get3A_110] : memref<3x64x128xf32, #tpu.memory_space<vmem>>, vector<1x64x128xf32>
    %get3A_112 = vector.shape_cast %get3A_111 : vector<1x64x128xf32> to vector<64x128xf32>
    %dot_general3A_113 = arith.constant dense<0.000000e+00> : vector<4096x128xf32>
    %dot_general3A_114 = tpu.matmul %max3A_107, %get3A_112, %dot_general3A_113 {dimension_numbers = #tpu.dot_dimension_numbers<[1], [0], [0], [1], [0, 0, 1, 1], [], []>, transpose_lhs_hint = false} : vector<4096x64xf32>, vector<64x128xf32>, vector<4096x128xf32> -> vector<4096x128xf32>
    %get3A_115 = arith.constant 1 : index
    %get3A_116 = arith.constant 0 : index
    %get3A_117 = vector.load %arg5[%get3A_115, %get3A_116] : memref<3x128xf32, #tpu.memory_space<vmem>>, vector<1x128xf32>
    %add3A_118 = vector.broadcast %get3A_117 : vector<1x128xf32> to vector<4096x128xf32>
    %add3A_119 = arith.addf %dot_general3A_114, %add3A_118 : vector<4096x128xf32>
    %get3A_120 = arith.constant 1 : index
    %get3A_121 = arith.constant 0 : index
    %get3A_122 = arith.constant 0 : index
    %get3A_123 = vector.load %arg6[%get3A_120, %get3A_121, %get3A_122] : memref<3x128x64xf32, #tpu.memory_space<vmem>>, vector<1x128x64xf32>
    %get3A_124 = vector.shape_cast %get3A_123 : vector<1x128x64xf32> to vector<128x64xf32>
    %dot_general3A_125 = arith.constant dense<0.000000e+00> : vector<4096x64xf32>
    %dot_general3A_126 = tpu.matmul %get3A_86, %get3A_124, %dot_general3A_125 {dimension_numbers = #tpu.dot_dimension_numbers<[1], [0], [0], [1], [0, 0, 1, 1], [], []>, transpose_lhs_hint = false} : vector<4096x128xf32>, vector<128x64xf32>, vector<4096x64xf32> -> vector<4096x64xf32>
    %get3A_127 = arith.constant 1 : index
    %get3A_128 = arith.constant 0 : index
    %get3A_129 = vector.load %arg7[%get3A_127, %get3A_128] : memref<3x64xf32, #tpu.memory_space<vmem>>, vector<1x64xf32>
    %add3A_130 = vector.broadcast %get3A_129 : vector<1x64xf32> to vector<4096x64xf32>
    %add3A_131 = arith.addf %dot_general3A_126, %add3A_130 : vector<4096x64xf32>
    %max3A_132 = arith.constant 0.000000e+00 : f32
    %max3A_133 = vector.broadcast %max3A_132 : f32 to vector<4096x64xf32>
    %max3A_134 = arith.maximumf %add3A_131, %max3A_133 : vector<4096x64xf32>
    %get3A_135 = arith.constant 1 : index
    %get3A_136 = arith.constant 0 : index
    %get3A_137 = arith.constant 0 : index
    %get3A_138 = vector.load %arg8[%get3A_135, %get3A_136, %get3A_137] : memref<3x64x128xf32, #tpu.memory_space<vmem>>, vector<1x64x128xf32>
    %get3A_139 = vector.shape_cast %get3A_138 : vector<1x64x128xf32> to vector<64x128xf32>
    %dot_general3A_140 = arith.constant dense<0.000000e+00> : vector<4096x128xf32>
    %dot_general3A_141 = tpu.matmul %max3A_134, %get3A_139, %dot_general3A_140 {dimension_numbers = #tpu.dot_dimension_numbers<[1], [0], [0], [1], [0, 0, 1, 1], [], []>, transpose_lhs_hint = false} : vector<4096x64xf32>, vector<64x128xf32>, vector<4096x128xf32> -> vector<4096x128xf32>
    %get3A_142 = arith.constant 1 : index
    %get3A_143 = arith.constant 0 : index
    %get3A_144 = vector.load %arg9[%get3A_142, %get3A_143] : memref<3x128xf32, #tpu.memory_space<vmem>>, vector<1x128xf32>
    %add3A_145 = vector.broadcast %get3A_144 : vector<1x128xf32> to vector<4096x128xf32>
    %add3A_146 = arith.addf %dot_general3A_141, %add3A_145 : vector<4096x128xf32>
    %tanh3A_147 = math.tanh %add3A_146 : vector<4096x128xf32>
    %neg3A_148 = arith.constant 0.000000e+00 : f32
    %neg3A_149 = vector.broadcast %neg3A_148 : f32 to vector<4096x128xf32>
    %neg3A_150 = arith.subf %neg3A_149, %tanh3A_147 : vector<4096x128xf32>
    %exp3A_151 = math.exp %neg3A_150 : vector<4096x128xf32>
    %sub3A_152 = arith.subf %add3A_119, %get3A_89 : vector<4096x128xf32>
    %integer_pow3A_153 = arith.mulf %sub3A_152, %sub3A_152 : vector<4096x128xf32>
    %neg3A_154 = arith.constant 0.000000e+00 : f32
    %neg3A_155 = vector.broadcast %neg3A_154 : f32 to vector<4096x128xf32>
    %neg3A_156 = arith.subf %neg3A_155, %integer_pow3A_153 : vector<4096x128xf32>
    %mul3A_157 = arith.mulf %neg3A_156, %exp3A_151 : vector<4096x128xf32>
    %sub3A_158 = arith.subf %add3A_119, %get3A_92 : vector<4096x128xf32>
    %integer_pow3A_159 = arith.mulf %sub3A_158, %sub3A_158 : vector<4096x128xf32>
    %neg3A_160 = arith.constant 0.000000e+00 : f32
    %neg3A_161 = vector.broadcast %neg3A_160 : f32 to vector<4096x128xf32>
    %neg3A_162 = arith.subf %neg3A_161, %integer_pow3A_159 : vector<4096x128xf32>
    %mul3A_163 = arith.mulf %neg3A_162, %exp3A_151 : vector<4096x128xf32>
    %reduce_sum3A_164 = arith.constant dense<0.000000e+00> : vector<4096xf32>
    %reduce_sum3A_165 = vector.multi_reduction <add>, %mul3A_157, %reduce_sum3A_164 [1] : vector<4096x128xf32> to vector<4096xf32>
    %reduce_sum3A_166 = arith.constant dense<0.000000e+00> : vector<4096xf32>
    %reduce_sum3A_167 = vector.multi_reduction <add>, %mul3A_163, %reduce_sum3A_166 [1] : vector<4096x128xf32> to vector<4096xf32>
    %sub3A_168 = arith.subf %reduce_sum3A_165, %reduce_sum3A_167 : vector<4096xf32>
    %reduce_sum3A_169 = vector.shape_cast %sub3A_168 : vector<4096xf32> to vector<1x4096xf32>
    %reduce_sum3A_170 = arith.constant dense<0.000000e+00> : vector<1xf32>
    %reduce_sum3A_171 = vector.multi_reduction <add>, %reduce_sum3A_169, %reduce_sum3A_170 [1] : vector<1x4096xf32> to vector<1xf32>
    %reduce_sum3A_172 = vector.shape_cast %reduce_sum3A_171 : vector<1xf32> to vector<1x1xf32>
    %reduce_sum3A_173 = vector.extract %reduce_sum3A_172[0, 0] : f32 from vector<1x1xf32>
    %div3A_174 = arith.constant 4.096000e+03 : f32
    %div3A_175 = arith.divf %reduce_sum3A_173, %div3A_174 : f32
    %div3A_176 = arith.constant 2.000000e+00 : f32
    %div3A_177 = arith.divf %div3A_175, %div3A_176 : f32
    %add3A_178 = arith.addf %add3A_83, %div3A_177 : f32
    %get3A_179 = arith.constant 0 : index
    %get3A_180 = arith.constant 128 : index
    %get3A_181 = vector.load %arg0[%get3A_179, %get3A_180] : memref<4096x384xf32, #tpu.memory_space<vmem>>, vector<4096x128xf32>
    %get3A_182 = arith.constant 0 : index
    %get3A_183 = arith.constant 256 : index
    %get3A_184 = vector.load %arg0[%get3A_182, %get3A_183] : memref<4096x384xf32, #tpu.memory_space<vmem>>, vector<4096x128xf32>
    %get3A_185 = arith.constant 8192 : index
    %get3A_186 = arith.constant 0 : index
    %get3A_187 = vector.load %arg1[%get3A_185, %get3A_186] : memref<12288x128xf32, #tpu.memory_space<vmem>>, vector<4096x128xf32>
    %get3A_188 = arith.constant 2 : index
    %get3A_189 = arith.constant 0 : index
    %get3A_190 = arith.constant 0 : index
    %get3A_191 = vector.load %arg2[%get3A_188, %get3A_189, %get3A_190] : memref<3x128x64xf32, #tpu.memory_space<vmem>>, vector<1x128x64xf32>
    %get3A_192 = vector.shape_cast %get3A_191 : vector<1x128x64xf32> to vector<128x64xf32>
    %dot_general3A_193 = arith.constant dense<0.000000e+00> : vector<4096x64xf32>
    %dot_general3A_194 = tpu.matmul %get3A_181, %get3A_192, %dot_general3A_193 {dimension_numbers = #tpu.dot_dimension_numbers<[1], [0], [0], [1], [0, 0, 1, 1], [], []>, transpose_lhs_hint = false} : vector<4096x128xf32>, vector<128x64xf32>, vector<4096x64xf32> -> vector<4096x64xf32>
    %get3A_195 = arith.constant 2 : index
    %get3A_196 = arith.constant 0 : index
    %get3A_197 = vector.load %arg3[%get3A_195, %get3A_196] : memref<3x64xf32, #tpu.memory_space<vmem>>, vector<1x64xf32>
    %add3A_198 = vector.broadcast %get3A_197 : vector<1x64xf32> to vector<4096x64xf32>
    %add3A_199 = arith.addf %dot_general3A_194, %add3A_198 : vector<4096x64xf32>
    %max3A_200 = arith.constant 0.000000e+00 : f32
    %max3A_201 = vector.broadcast %max3A_200 : f32 to vector<4096x64xf32>
    %max3A_202 = arith.maximumf %add3A_199, %max3A_201 : vector<4096x64xf32>
    %get3A_203 = arith.constant 2 : index
    %get3A_204 = arith.constant 0 : index
    %get3A_205 = arith.constant 0 : index
    %get3A_206 = vector.load %arg4[%get3A_203, %get3A_204, %get3A_205] : memref<3x64x128xf32, #tpu.memory_space<vmem>>, vector<1x64x128xf32>
    %get3A_207 = vector.shape_cast %get3A_206 : vector<1x64x128xf32> to vector<64x128xf32>
    %dot_general3A_208 = arith.constant dense<0.000000e+00> : vector<4096x128xf32>
    %dot_general3A_209 = tpu.matmul %max3A_202, %get3A_207, %dot_general3A_208 {dimension_numbers = #tpu.dot_dimension_numbers<[1], [0], [0], [1], [0, 0, 1, 1], [], []>, transpose_lhs_hint = false} : vector<4096x64xf32>, vector<64x128xf32>, vector<4096x128xf32> -> vector<4096x128xf32>
    %get3A_210 = arith.constant 2 : index
    %get3A_211 = arith.constant 0 : index
    %get3A_212 = vector.load %arg5[%get3A_210, %get3A_211] : memref<3x128xf32, #tpu.memory_space<vmem>>, vector<1x128xf32>
    %add3A_213 = vector.broadcast %get3A_212 : vector<1x128xf32> to vector<4096x128xf32>
    %add3A_214 = arith.addf %dot_general3A_209, %add3A_213 : vector<4096x128xf32>
    %get3A_215 = arith.constant 2 : index
    %get3A_216 = arith.constant 0 : index
    %get3A_217 = arith.constant 0 : index
    %get3A_218 = vector.load %arg6[%get3A_215, %get3A_216, %get3A_217] : memref<3x128x64xf32, #tpu.memory_space<vmem>>, vector<1x128x64xf32>
    %get3A_219 = vector.shape_cast %get3A_218 : vector<1x128x64xf32> to vector<128x64xf32>
    %dot_general3A_220 = arith.constant dense<0.000000e+00> : vector<4096x64xf32>
    %dot_general3A_221 = tpu.matmul %get3A_181, %get3A_219, %dot_general3A_220 {dimension_numbers = #tpu.dot_dimension_numbers<[1], [0], [0], [1], [0, 0, 1, 1], [], []>, transpose_lhs_hint = false} : vector<4096x128xf32>, vector<128x64xf32>, vector<4096x64xf32> -> vector<4096x64xf32>
    %get3A_222 = arith.constant 2 : index
    %get3A_223 = arith.constant 0 : index
    %get3A_224 = vector.load %arg7[%get3A_222, %get3A_223] : memref<3x64xf32, #tpu.memory_space<vmem>>, vector<1x64xf32>
    %add3A_225 = vector.broadcast %get3A_224 : vector<1x64xf32> to vector<4096x64xf32>
    %add3A_226 = arith.addf %dot_general3A_221, %add3A_225 : vector<4096x64xf32>
    %max3A_227 = arith.constant 0.000000e+00 : f32
    %max3A_228 = vector.broadcast %max3A_227 : f32 to vector<4096x64xf32>
    %max3A_229 = arith.maximumf %add3A_226, %max3A_228 : vector<4096x64xf32>
    %get3A_230 = arith.constant 2 : index
    %get3A_231 = arith.constant 0 : index
    %get3A_232 = arith.constant 0 : index
    %get3A_233 = vector.load %arg8[%get3A_230, %get3A_231, %get3A_232] : memref<3x64x128xf32, #tpu.memory_space<vmem>>, vector<1x64x128xf32>
    %get3A_234 = vector.shape_cast %get3A_233 : vector<1x64x128xf32> to vector<64x128xf32>
    %dot_general3A_235 = arith.constant dense<0.000000e+00> : vector<4096x128xf32>
    %dot_general3A_236 = tpu.matmul %max3A_229, %get3A_234, %dot_general3A_235 {dimension_numbers = #tpu.dot_dimension_numbers<[1], [0], [0], [1], [0, 0, 1, 1], [], []>, transpose_lhs_hint = false} : vector<4096x64xf32>, vector<64x128xf32>, vector<4096x128xf32> -> vector<4096x128xf32>
    %get3A_237 = arith.constant 2 : index
    %get3A_238 = arith.constant 0 : index
    %get3A_239 = vector.load %arg9[%get3A_237, %get3A_238] : memref<3x128xf32, #tpu.memory_space<vmem>>, vector<1x128xf32>
    %add3A_240 = vector.broadcast %get3A_239 : vector<1x128xf32> to vector<4096x128xf32>
    %add3A_241 = arith.addf %dot_general3A_236, %add3A_240 : vector<4096x128xf32>
    %tanh3A_242 = math.tanh %add3A_241 : vector<4096x128xf32>
    %neg3A_243 = arith.constant 0.000000e+00 : f32
    %neg3A_244 = vector.broadcast %neg3A_243 : f32 to vector<4096x128xf32>
    %neg3A_245 = arith.subf %neg3A_244, %tanh3A_242 : vector<4096x128xf32>
    %exp3A_246 = math.exp %neg3A_245 : vector<4096x128xf32>
    %sub3A_247 = arith.subf %add3A_214, %get3A_184 : vector<4096x128xf32>
    %integer_pow3A_248 = arith.mulf %sub3A_247, %sub3A_247 : vector<4096x128xf32>
    %neg3A_249 = arith.constant 0.000000e+00 : f32
    %neg3A_250 = vector.broadcast %neg3A_249 : f32 to vector<4096x128xf32>
    %neg3A_251 = arith.subf %neg3A_250, %integer_pow3A_248 : vector<4096x128xf32>
    %mul3A_252 = arith.mulf %neg3A_251, %exp3A_246 : vector<4096x128xf32>
    %sub3A_253 = arith.subf %add3A_214, %get3A_187 : vector<4096x128xf32>
    %integer_pow3A_254 = arith.mulf %sub3A_253, %sub3A_253 : vector<4096x128xf32>
    %neg3A_255 = arith.constant 0.000000e+00 : f32
    %neg3A_256 = vector.broadcast %neg3A_255 : f32 to vector<4096x128xf32>
    %neg3A_257 = arith.subf %neg3A_256, %integer_pow3A_254 : vector<4096x128xf32>
    %mul3A_258 = arith.mulf %neg3A_257, %exp3A_246 : vector<4096x128xf32>
    %reduce_sum3A_259 = arith.constant dense<0.000000e+00> : vector<4096xf32>
    %reduce_sum3A_260 = vector.multi_reduction <add>, %mul3A_252, %reduce_sum3A_259 [1] : vector<4096x128xf32> to vector<4096xf32>
    %reduce_sum3A_261 = arith.constant dense<0.000000e+00> : vector<4096xf32>
    %reduce_sum3A_262 = vector.multi_reduction <add>, %mul3A_258, %reduce_sum3A_261 [1] : vector<4096x128xf32> to vector<4096xf32>
    %sub3A_263 = arith.subf %reduce_sum3A_260, %reduce_sum3A_262 : vector<4096xf32>
    %reduce_sum3A_264 = vector.shape_cast %sub3A_263 : vector<4096xf32> to vector<1x4096xf32>
    %reduce_sum3A_265 = arith.constant dense<0.000000e+00> : vector<1xf32>
    %reduce_sum3A_266 = vector.multi_reduction <add>, %reduce_sum3A_264, %reduce_sum3A_265 [1] : vector<1x4096xf32> to vector<1xf32>
    %reduce_sum3A_267 = vector.shape_cast %reduce_sum3A_266 : vector<1xf32> to vector<1x1xf32>
    %reduce_sum3A_268 = vector.extract %reduce_sum3A_267[0, 0] : f32 from vector<1x1xf32>
    %div3A_269 = arith.constant 4.096000e+03 : f32
    %div3A_270 = arith.divf %reduce_sum3A_268, %div3A_269 : f32
    %div3A_271 = arith.constant 2.000000e+00 : f32
    %div3A_272 = arith.divf %div3A_270, %div3A_271 : f32
    %add3A_273 = arith.addf %add3A_178, %div3A_272 : f32
    %reshape3A = vector.broadcast %add3A_273 : f32 to vector<1x1xf32>
    %swap3A = arith.constant 0 : index
    %swap3A_274 = arith.constant 0 : index
    %swap3A_275 = vector.load %arg10[%swap3A, %swap3A_274] : memref<1x1xf32, #tpu.memory_space<vmem>>, vector<1x1xf32>
    tpu.vector_store %arg10[%swap3A, %swap3A_274], %reshape3A {strides = array<i32>} : memref<1x1xf32, #tpu.memory_space<vmem>>, vector<1x1xf32>,
    return
  }
}

</mosaic_0001>

<sc_bundles>
// kernel: kernel.4.cloned.1.call-start
scs
__scs_entry_jumppad:
0x0: {  	(pc) =	sbr.rel $0x88, $3  }
0x1: {  	(tag) =	ssettag $0x0;
	lr =	simm.s32 $0x1  }
0x2: {  	[smem:$0x3F94] =	sst lr;
	_ =	strace $0xD0000000  }
0x3: {  	_ = 	snop  }
0x4: {  	_ = 	snop  }
0x5: {  	_ = 	snop  }
0x6: {  	_ = 	snop  }
0x7: {  	_ = 	snop  }
__scs_overlays_trampoline_lowered:
0x8: {  	[smem:$0x3FA3] =	sst s0  }
0x9: {  	[smem:$0x3FA4] =	sst s1  }
0xa: {  	[smem:$0x3FA5] =	sst s2  }
0xb: {  	[smem:$0x3FA6] =	sst s3  }
0xc: {  	[smem:$0x3FA7] =	sst s4  }
0xd: {  	[smem:$0x3FA8] =	sst s5  }
0xe: {  	[smem:$0x3FA9] =	sst s6  }
0xf: {  	[smem:$0x3FAA] =	sst s7  }
0x10: {  	[smem:$0x3FAB] =	sst s8  }
0x11: {  	[smem:$0x3FAC] =	sst s9;
	s0 =	simm.s32 @!p0 $0x0  }
0x12: {  	s1 =	sld [smem:$0x3F92];
	s0 =	simm.s32 @p0 $0x1  }
0x13: {  	[smem:$0x3FAD] =	sst s0;
	s0 =	simm.s32 @!p1 $0x0  }
0x14: {  	s2 =	sld [smem:$0x3F91];
	s0 =	simm.s32 @p1 $0x1  }
0x15: {  	[smem:$0x3FAE] =	sst s0;
	s0 =	simm.s32 @!p2 $0x0  }
0x16: {  	s3 =	sld [smem:$0x3FDB];
	s0 =	simm.s32 @p2 $0x1  }
0x17: {  	s4 =	simm.s32 $0x1BF5;
	[smem:$0x3FB0] =	sst s0  }
0x18: {  	s0 =	sld [smem:$0x3F93];
	_ =	swait.ge [sflag:s4], $0x0  }
0x19: {  	s7 =	sld [smem:$0x3F94]  }
0x1a: {  	s8 =	sadd.s32 $0xFFFFE003, lr  }
0x1b: {  	s9 =	sadd.s32 $0xFFFFFEF7, lr;
	s5 =	simm.s32 $0xFFFFFFFF;
	p2 =	slt.u32 s8, $0xFFFFF086  }
0x1c: {  	p1 =	slt.u32 s9, $0xF7A;
	s5 =	simm.s32 @!p2 $0x0  }
0x1d: {  	s5 =	simm.s32 @p1 $0x1;
	p0 =	seq.s32 s7, s2  }
0x1e: {  	s7 =	smul.u32 @!p0 $0xF7A, s2;
	p2 =	seq.s32 @!p0 s5, $0x0  }
0x1f: {  	s9 =	smul.u32 $0xF7A, s1;
	s8 =	simm.s32 @!p0 $0x1BF5;
	p2 =	por !p2, p0  }
0x20: {  	[sflag:s8] =	ssyncset.s32 @!p0 $0xFFFFF086;
	s6 =	sadd.s32 @!p0 s3, s7;
	s7 =	simm.s32 @!p0 $0x108  }
0x21: {  	s3 =	sadd.s32 s3, s9;
	s6 =	sadd.s32 @!p0 $0x88, s6;
	s7 =	simm.s32 @p2 $0x1082  }
0x22: {  	[simem:s7], [sflag:s8] =	dma.local @!p0 [hbm:s6], $0xF7A  }
0x23: {  	s9 =	sor.u32 $0xD0000000, s2;
	s6 =	simm.s32 $0x108;
	_ =	swait.ge @!p0 [sflag:s8], $0x0  }
0x24: {  	s3 =	sadd.s32 $0x88, s3;
	s6 =	simm.s32 @!p1 $0x1082;
	[sflag:s4] =	ssyncset.s32 $0xFFFFF086  }
0x25: {  	[simem:s6], [sflag:s4] =	dma.local [hbm:s3], $0xF7A  }
0x26: {  	[smem:$0x3F94] =	sst s1;
	(tag) =	ssettag s2;
	_ =	strace s9  }
0x27: {  	s1 =	sld [smem:$0x3FA4]  }
0x28: {  	s2 =	sld [smem:$0x3FA5]  }
0x29: {  	s4 =	sld [smem:$0x3FA7]  }
0x2a: {  	p0 =	seq.s32 s5, $0x0;
	s5 =	sld [smem:$0x3FA8]  }
0x2b: {  	s6 =	sld [smem:$0x3FA9]  }
0x2c: {  	s7 =	sld [smem:$0x3FAA]  }
0x2d: {  	s3 =	simm.s32 $0x108;
	s8 =	sld [smem:$0x3FAB]  }
0x2e: {  	s3 =	simm.s32 @!p0 $0x1082;
	s9 =	sld [smem:$0x3FAC]  }
0x2f: {  	lr =	sadd.s32 s0, s3;
	s0 =	sld [smem:$0x3FA3]  }
0x30: {  	s3 =	sld [smem:$0x3FA6]  }
0x31: {  	[smem:$0x3FAF] =	sst s10  }
0x32: {  	s10 =	sld [smem:$0x3FAD];
	_ =	sdelay $0x3  }
0x33: {  	p0 =	seq.s32 s10, $0x1;
	s10 =	sld [smem:$0x3FAF];
	_ =	sdelay $0x3  }
0x34: {  	[smem:$0x3FAF] =	sst s10  }
0x35: {  	s10 =	sld [smem:$0x3FAE];
	_ =	sdelay $0x3  }
0x36: {  	p1 =	seq.s32 s10, $0x1;
	s10 =	sld [smem:$0x3FAF];
	_ =	sdelay $0x3  }
0x37: {  	[smem:$0x3FAF] =	sst s10  }
0x38: {  	s10 =	sld [smem:$0x3FB0]  }
0x39: {  	_ = 	snop;
	(pc) =	sbr.ind lr, $3  }
0x3a: {  	_ = 	snop  }
0x3b: {  	_ = 	snop  }
0x3c: {  	p2 =	seq.s32 s10, $0x1;
	s10 =	sld [smem:$0x3FAF]  }
0x3d: {  	_ =	shalt  }
0x3e: {  	_ =	shalt  }
0x3f: {  	_ =	shalt  }
0x40: {  	_ =	shalt  }
0x41: {  	_ =	shalt  }
0x42: {  	_ =	shalt  }
0x43: {  	_ =	shalt  }
0x44: {  	_ =	shalt  }
0x45: {  	_ =	shalt  }
0x46: {  	_ =	shalt  }
0x47: {  	_ =	shalt  }
0x48: {  	_ =	shalt  }
0x49: {  	_ =	shalt  }
0x4a: {  	_ =	shalt  }
0x4b: {  	_ =	shalt  }
0x4c: {  	_ =	shalt  }
0x4d: {  	_ =	shalt  }
0x4e: {  	_ =	shalt  }
0x4f: {  	_ =	shalt  }
0x50: {  	_ =	shalt  }
0x51: {  	_ =	shalt  }
0x52: {  	_ =	shalt  }
0x53: {  	_ =	shalt  }
0x54: {  	_ =	shalt  }
0x55: {  	_ =	shalt  }
0x56: {  	_ =	shalt  }
0x57: {  	_ =	shalt  }
0x58: {  	_ =	shalt  }
0x59: {  	_ =	shalt  }
0x5a: {  	_ =	shalt  }
0x5b: {  	_ =	shalt  }
0x5c: {  	_ =	shalt  }
0x5d: {  	_ =	shalt  }
0x5e: {  	_ =	shalt  }
0x5f: {  	_ =	shalt  }
0x60: {  	_ =	shalt  }
0x61: {  	_ =	shalt  }
0x62: {  	_ =	shalt  }
0x63: {  	_ =	shalt  }
0x64: {  	_ =	shalt  }
0x65: {  	_ =	shalt  }
0x66: {  	_ =	shalt  }
0x67: {  	_ =	shalt  }
0x68: {  	_ =	shalt  }
0x69: {  	_ =	shalt  }
0x6a: {  	_ =	shalt  }
0x6b: {  	_ =	shalt  }
0x6c: {  	_ =	shalt  }
0x6d: {  	_ =	shalt  }
0x6e: {  	_ =	shalt  }
0x6f: {  	_ =	shalt  }
0x70: {  	_ =	shalt  }
0x71: {  	_ =	shalt  }
0x72: {  	_ =	shalt  }
0x73: {  	_ =	shalt  }
0x74: {  	_ =	shalt  }
0x75: {  	_ =	shalt  }
0x76: {  	_ =	shalt  }
0x77: {  	_ =	shalt  }
0x78: {  	_ =	shalt  }
0x79: {  	_ =	shalt  }
0x7a: {  	_ =	shalt  }
0x7b: {  	_ =	shalt  }
0x7c: {  	_ =	shalt  }
0x7d: {  	_ =	shalt  }
0x7e: {  	_ =	shalt  }
0x7f: {  	_ =	shalt  }
0x80: {  	_ =	shalt  }
0x81: {  	_ =	shalt  }
0x82: {  	_ =	shalt  }
0x83: {  	_ =	shalt  }
0x84: {  	_ =	shalt  }
0x85: {  	_ =	shalt  }
0x86: {  	_ =	shalt  }
0x87: {  	_ =	shalt  }
.Lfunc_end0:
.L_simem_size_0:
called_computation_lowered:
.L_overlay_start_0:
0x88: {  	s2 =	sld [smem:$0x3FD9]  }
0x89: {  	s3 =	sld [smem:$0x3FFE];
	_ =	sdelay $0x1  }
0x8a: {  	s1 =	srdreg.scid  }
0x8b: {  	s0 =	sand.u32 $0x1, s1  }
0x8c: {  	s14 =	sshll.u32 s0, $0xA;
	s2 =	sadd.s32 s3, s2  }
0x8d: {  	s2 =	sadd.s32 s2, s14  }
0x8e: {  	[smem:$0x3FBB] =	sst s2  }
0x8f: {  	_ = 	snop  }
0x90: {  	s2 =	sld [smem:$0x3FD0];
	_ =	sdelay $0x1  }
0x91: {  	s15 =	sld [smem:$0x3FC9]  }
0x92: {  	s5 =	simm.s32 $0xA;
	s6 =	simm.s32 $0x10;
	s4 =	sld [smem:$0x3FC8]  }
0x93: {  	[smem:s6], [sflag:s5] =	dma.local [hbm:s2], $0x1  }
0x94: {  	_ =	swait.eq [sflag:s5], $0x1  }
0x95: {  	s16 =	sld [smem:$0x10]  }
0x96: {  	s17 =	sld [smem:$0x11];
	[sflag:s5] =	ssyncset.done $0x0  }
0x97: {  	s7 =	sld [smem:$0x12];
	[sflag:s5] =	ssyncadd.s32 $0xFFFFFFFF  }
0x98: {  	s18 =	sld [smem:$0x13];
	(tm) =	ssettm $0x1  }
0x99: {  	s8 =	sld [smem:$0x3FFB];
	_ =	sdelay $0x3  }
0x9a: {  	_ =	strace s8  }
0x9b: {  	s8 =	sld [smem:$0x3FFC];
	_ =	sdelay $0x3  }
0x9c: {  	_ =	strace s8  }
0x9d: {  	s8 =	sld [smem:$0x3FFD];
	_ =	sdelay $0x3  }
0x9e: {  	_ =	strace s8  }
0x9f: {  	_ =	strace $0x8FFFFFFF  }
0xa0: {  	s19 =	sld [smem:$0x3FDB];
	_ =	sdelay $0x1  }
0xa1: {  	s9 =	simm.s32 $_scs_section_size  }
0xa2: {  	s10 =	simm.s32 $_size__tile_overlayer_lowered;
	s11 =	simm.s32 $_tile_overlayer_lowered  }
0xa3: {  	s22 =	simm.s32 $0x1BFF;
	s21 =	sshll.u32 s11, $0x1;
	s8 =	sadd.s32 s9, s19  }
0xa4: {  	s12 =	simm.s32 $0x0;
	s20 =	sshll.u32 s10, $0x1;
	s10 =	sadd.s32 s21, s8  }
0xa5: {  	[timem:s12], [sflag:s22] =	dma.local [hbm:s10], s20  }
0xa6: {  	_ =	swait.ge [sflag:s22], s20  }
0xa7: {  	s9 =	ssub.s32 $0x0, s20;
	[sflag:s22] =	ssyncset.done $0x0  }
0xa8: {  	[sflag:s22] =	ssyncadd.s32 s9;
	_ =	sdelay $0x1  }
0xa9: {  	s23 =	simm.s32 $0x1B8B  }
0xaa: {  	_ =	swait.ge [sflag:s23], $0x1  }
0xab: {  	[sflag:s23] =	ssyncset.done $0x0  }
0xac: {  	s25 =	simm.s32 $0x1B8E;
	s24 =	sld [smem:$0x3FFE];
	[sflag:s23] =	ssyncadd.s32 $0xFFFFFFFF  }
0xad: {  	s26 =	simm.s32 $execute0_lowered;
	[smem:$0x3FD2] =	sst s25  }
0xae: {  	s10 =	sshll.u32 s26, $0x1;
	_ =	strace $0x80000046;
	[dreg:$0x1] =	wrdreg $0xFFFFFFFF  }
0xaf: {  	s28 =	simm.s32 $_size_execute0_lowered;
	s8 =	sadd.s32 s8, s10;
	[dreg:$0x0] =	wrdreg $0x0  }
0xb0: {  	s10 =	sshll.u32 s28, $0x1;
	[dreg:$0x2] =	wrdreg s8  }
0xb1: {  	[dreg:$0x3] =	wrdreg s10  }
0xb2: {  	[dreg:$0x4] =	wrdreg $0xC0  }
0xb3: {  	_ =	task [dreg:s12], $0x5FFFF  }
0xb4: {  	[dreg:$0x1] =	wrdreg $0xFFFFFFFF  }
0xb5: {  	[dreg:$0x0] =	wrdreg $0x60  }
0xb6: {  	[dreg:$0x2] =	wrdreg s15  }
0xb7: {  	[dreg:$0x3] =	wrdreg s4  }
0xb8: {  	[dreg:$0x4] =	wrdreg s24  }
0xb9: {  	[dreg:$0x5] =	wrdreg s16  }
0xba: {  	[dreg:$0x6] =	wrdreg s7  }
0xbb: {  	[dreg:$0x7] =	wrdreg s18  }
0xbc: {  	[dreg:$0x8] =	wrdreg s17  }
0xbd: {  	[dreg:$0x9] =	wrdreg $0x9  }
0xbe: {  	_ =	task.clear_ibuf [dreg:s12], $0xAFFFF;
	_ =	strace $0x90000046  }
0xbf: {  	s29 =	simm.s32 $0x9;
	_ =	strace $0x80000048  }
0xc0: {  	_ =	swait.ge [sflag:s29], $0x1  }
0xc1: {  	[sflag:s29] =	ssyncadd.s32 $0xFFFFFFFF  }
0xc2: {  	_ =	strace $0x90000048  }
0xc3: {  	_ =	sfence  }
0xc4: {  	s30 =	sld [smem:$0x0];
	_ =	sdelay $0x2  }
0xc5: {  	s31 =	sshll.u32 s1, $0xD;
	s1 =	sshrl.u32 s1, $0x2  }
0xc6: {  	s3 =	sand.u32 $0x4000, s31;
	s1 =	sadd.s32 s1, s30  }
0xc7: {  	s0 =	sor.u32 s3, s0;
	s1 =	sshll.u32 s1, $0x11  }
0xc8: {  	s0 =	sor.u32 s1, s0  }
0xc9: {  	s0 =	sadd.s32 $0x8F2B, s0  }
0xca: {  	[sflag:s0] =	ssyncadd.remote.s32 $0x1  }
0xcb: {  	_ =	sfence.sel $0xFFFF  }
0xcc: {  	[dreg:$0x0] =	wrdreg $0xFFFFFFFF;
	(pc) =	sbr.abs _section_cstart, $3  }
0xcd: {  	[dreg:$0x1] =	wrdreg $0xFFFFFFFF  }
0xce: {  	_ =	task.clear_ibuf [dreg:s12], $0x2FFFF;
	_ =	strace $0x9FFFFFFF  }
0xcf: {  	(tm) =	ssettm $0x7FFFFFFF  }
tec
execute0_lowered:
.L_overlay_start_1:
0x0: {  	(tag) =	ssettag $0x1  }
0x1: {  	s0 =	rddreg [dreg:$0x0]  }
0x2: {  	s1 =	rddreg [dreg:$0x1]  }
0x3: {  	s15 =	rddreg [dreg:$0x2]  }
0x4: {  	s3 =	rddreg [dreg:$0x3]  }
0x5: {  	s2 =	rddreg [dreg:$0x4]  }
0x6: {  	s4 =	rddreg [dreg:$0x5]  }
0x7: {  	s5 =	srdreg.scid;
	s6 =	rddreg [dreg:$0x6]  }
0x8: {  	[dreg:$0x8] =	wrdreg s1;
	s7 =	sand.u32 $0x1, s5;
	s5 =	simm.s32 $0x0  }
0x9: {  	s20 =	simm.s32 $0x200;
	[smem:$0x7FF] =	sst s5  }
0xa: {  	s21 =	simm.s32 $0x1200;
	_ =	strace $0x80000047;
	[dreg:$0xe] =	wrdreg s20  }
0xb: {  	s22 =	simm.s32 $0x1E00;
	[dreg:$0xf] =	wrdreg s21  }
0xc: {  	s23 =	simm.s32 $0x2A00;
	[dreg:$0x10] =	wrdreg s22  }
0xd: {  	s24 =	simm.s32 $0x3600;
	[dreg:$0x11] =	wrdreg s23  }
0xe: {  	s25 =	simm.s32 $0x4200;
	[dreg:$0x12] =	wrdreg s24  }
0xf: {  	s26 =	simm.s32 $0x4E00;
	[dreg:$0x13] =	wrdreg s25  }
0x10: {  	s28 =	simm.s32 $0x5A00;
	[dreg:$0x14] =	wrdreg s26  }
0x11: {  	s29 =	simm.s32 $0x6600;
	[dreg:$0x15] =	wrdreg s28  }
0x12: {  	s30 =	simm.s32 $0x7200;
	[dreg:$0x16] =	wrdreg s29  }
0x13: {  	s31 =	simm.s32 $0x7E00;
	[dreg:$0x17] =	wrdreg s30  }
0x14: {  	s11 =	simm.s32 $0xAE00;
	[dreg:$0x18] =	wrdreg s31  }
0x15: {  	s12 =	simm.s32 $0xBA00;
	[dreg:$0x1c] =	wrdreg s11  }
0x16: {  	s13 =	simm.s32 $0x80;
	[dreg:$0x1d] =	wrdreg s12  }
0x17: {  	s14 =	simm.s32 $0x100;
	[dreg:$0x1e] =	wrdreg s13  }
0x18: {  	[dreg:$0x1f] =	wrdreg s14;
	s20 =	simm.s32 $0x4600  }
0x19: {  	s21 =	simm.s32 $0x5200;
	[smem:$0x7F3] =	sst s20  }
0x1a: {  	s22 =	simm.s32 $0x5E00;
	[smem:$0x7F4] =	sst s21  }
0x1b: {  	s23 =	simm.s32 $0x6A00;
	[smem:$0x7F5] =	sst s22  }
0x1c: {  	s24 =	simm.s32 $0x7600;
	[smem:$0x7F6] =	sst s23  }
0x1d: {  	s25 =	simm.s32 $0x8200;
	[smem:$0x7F7] =	sst s24  }
0x1e: {  	s8 =	stileid.u32;
	s26 =	simm.s32 $0x8E00;
	[smem:$0x7F8] =	sst s25  }
0x1f: {  	s8 =	sshll.u32 s8, $0x1;
	s28 =	simm.s32 $0x9A00;
	[smem:$0x7F9] =	sst s26  }
0x20: {  	s8 =	sor.u32 s7, s8;
	s29 =	simm.s32 $0xA600;
	[smem:$0x7FA] =	sst s28  }
0x21: {  	s9 =	sshll.u32 s8, $0x6;
	s30 =	simm.s32 $0xB200;
	[smem:$0x7FB] =	sst s29  }
0x22: {  	s10 =	sshll.u32 s8, $0x7;
	s31 =	simm.s32 $0xBE00;
	[smem:$0x7FC] =	sst s30  }
0x23: {  	s8 =	smul.u32 $0x1800, s8;
	s1 =	sadd.s32 s15, s10;
	[smem:$0x7FD] =	sst s31  }
0x24: {  	s9 =	sadd.s32 s9, s15;
	s15 =	simm.s32 $0xA00;
	[dreg:$0xa] =	wrdreg s1  }
0x25: {  	s9 =	sadd.s32 $0x1000, s9;
	[smem:$0x7EE] =	sst s15  }
0x26: {  	s16 =	sadd.s32 s3, s8;
	[dreg:$0x9] =	wrdreg s9  }
0x27: {  	s17 =	sadd.s32 s6, s8;
	[dreg:$0xb] =	wrdreg s16  }
0x28: {  	s3 =	simm.s32 $0x8A00;
	[smem:$0x7ED] =	sst s17  }
0x29: {  	s6 =	simm.s32 $0x9600;
	[dreg:$0x19] =	wrdreg s3  }
0x2a: {  	s18 =	sadd.s32 $0x80, s17;
	[dreg:$0x1a] =	wrdreg s6  }
0x2b: {  	s19 =	sadd.s32 $0x100, s17;
	[dreg:$0xc] =	wrdreg s18  }
0x2c: {  	s8 =	ssub.s32 $0x2, s7;
	s9 =	simm.s32 $0xA200;
	[dreg:$0xd] =	wrdreg s19  }
0x2d: {  	s7 =	sadd.s32 $0x100, s0;
	s16 =	simm.s32 $0x1600;
	[dreg:$0x1b] =	wrdreg s9  }
0x2e: {  	s10 =	sshrl.u32 s8, $0x1;
	s17 =	simm.s32 $0x2200;
	[smem:$0x7EF] =	sst s16  }
0x2f: {  	v2 =	vlaneseq.u32;
	s3 =	ssub.s32 s8, s10;
	[smem:$0x7F0] =	sst s17;
	s18 =	simm.s32 $0x2E00  }
0x30: {  	vm0 =	vmmov $0xffff;
	vm1 =	vmmov $0xff;
	v1 =	vshrl.u32 v2, $0x3;
	s8 =	sadd.s32 $0x100, s2;
	s19 =	simm.s32 $0x3A00;
	[smem:$0x7F1] =	sst s18  }
0x31: {  	v0 =	vand.u32 $0x7, v2;
	v2 =	vor.u32 $0x8, v2;
	v1 =	vmul.u32 $0x8, v1;
	s10 =	simm.s32 $0x4;
	s3 =	smax.u32 s3, $0x1;
	[smem:$0x7F2] =	sst s19  }
.LBB2_1:
0x32: {  	[smem:$0x7EC] =	sst s3  }
0x33: {  	s17 =	rddreg [dreg:$0x9]  }
0x34: {  	[tilespmem:s5], [sflag:$0x4] =	stream.linear.gather [hbm4b:s17+s5], $0x180, $0x38;
	[tilespmem:$0x1C600] =	vst v63  }
0x35: {  	_ =	swait.ge [sflag:s10], $0x180  }
0x36: {  	s23 =	rddreg [dreg:$0xa];
	[sflag:s10] =	ssyncset.done $0x0  }
0x37: {  	s18 =	rddreg [dreg:$0xe];
	[sflag:s10] =	ssyncadd.s32 $0xFFFFFE80  }
0x38: {  	[tilespmem:s18], [sflag:$0x4] =	stream.linear.gather [hbm4b:s23+s5], $0x300, $0x38;
	[tilespmem:$0x1C600] =	vst v63  }
0x39: {  	_ =	swait.ge [sflag:s10], $0x300  }
0x3a: {  	[sflag:s10] =	ssyncset.done $0x0  }
0x3b: {  	[sflag:s10] =	ssyncadd.s32 $0xFFFFFD00  }
0x3c: {  	v3 =	vld [tilespmem:$0x0];
	_ =	sdelay $0x4  }
0x3d: {  	v4 =	vshrl.u32 v3, $0x3  }
0x3e: {  	v4 =	vmul.u32 $0x18, v4  }
0x3f: {  	v3 =	vand.u32 $0x7, v3  }
0x40: {  	v3 =	vor.u32 v3, v4  }
0x41: {  	v4 =	vperm.xlane v3, v0;
	_ =	sdelay $0x1  }
0x42: {  	v4 =	vadd.s32 v1, v4;
	_ =	sdelay $0x1  }
0x43: {  	v3 =	vperm.xlane v3, v2;
	_ =	sdelay $0x1  }
0x44: {  	s20 =	simm.s32 $0x600;
	v3 =	vadd.s32 v1, v3  }
0x45: {  	[tilespmem:s20], [sflag:$0x1] =	stream.indirect_vreg.gather [hbm4b:s0+s5], $0x80, v4, vm0, $0xb8;
	[tilespmem:$0x1C600] =	vst v63  }
0x46: {  	s21 =	simm.s32 $0xE00  }
0x47: {  	[tilespmem:s21], [sflag:$0x1] =	stream.indirect_vreg.gather [hbm4b:s7+s5], $0x80, v4, vm1, $0xb8;
	[tilespmem:$0x1C600] =	vst v63  }
0x48: {  	s24 =	rddreg [dreg:$0xf]  }
0x49: {  	[tilespmem:s24], [sflag:$0x1] =	stream.indirect_vreg.gather [hbm4b:s0+s5], $0x80, v3, vm0, $0xb8;
	[tilespmem:$0x1C600] =	vst v63  }
0x4a: {  	s22 =	simm.s32 $0x1A00  }
0x4b: {  	[tilespmem:s22], [sflag:$0x1] =	stream.indirect_vreg.gather [hbm4b:s7+s5], $0x80, v3, vm1, $0xb8;
	[tilespmem:$0x1C600] =	vst v63  }
0x4c: {  	v3 =	vld [tilespmem:$0x10];
	_ =	sdelay $0x4  }
0x4d: {  	v57 =	vshrl.u32 v3, $0x3  }
0x4e: {  	v4 =	vmul.u32 $0x18, v57  }
0x4f: {  	v3 =	vand.u32 $0x7, v3  }
0x50: {  	v3 =	vor.u32 v3, v4  }
0x51: {  	v4 =	vperm.xlane v3, v0;
	_ =	sdelay $0x1  }
0x52: {  	v4 =	vadd.s32 v1, v4;
	_ =	sdelay $0x1  }
0x53: {  	v3 =	vperm.xlane v3, v2;
	_ =	sdelay $0x1  }
0x54: {  	s25 =	rddreg [dreg:$0x10];
	v3 =	vadd.s32 v1, v3  }
0x55: {  	[tilespmem:s25], [sflag:$0x1] =	stream.indirect_vreg.gather [hbm4b:s0+s5], $0x80, v4, vm0, $0xb8;
	[tilespmem:$0x1C600] =	vst v63  }
0x56: {  	s23 =	simm.s32 $0x2600  }
0x57: {  	[tilespmem:s23], [sflag:$0x1] =	stream.indirect_vreg.gather [hbm4b:s7+s5], $0x80, v4, vm1, $0xb8;
	[tilespmem:$0x1C600] =	vst v63  }
0x58: {  	s26 =	rddreg [dreg:$0x11]  }
0x59: {  	[tilespmem:s26], [sflag:$0x1] =	stream.indirect_vreg.gather [hbm4b:s0+s5], $0x80, v3, vm0, $0xb8;
	[tilespmem:$0x1C600] =	vst v63  }
0x5a: {  	s24 =	simm.s32 $0x3200  }
0x5b: {  	[tilespmem:s24], [sflag:$0x1] =	stream.indirect_vreg.gather [hbm4b:s7+s5], $0x80, v3, vm1, $0xb8;
	[tilespmem:$0x1C600] =	vst v63  }
0x5c: {  	v3 =	vld [tilespmem:$0x20];
	_ =	sdelay $0x4  }
0x5d: {  	v58 =	vshrl.u32 v3, $0x3  }
0x5e: {  	v4 =	vmul.u32 $0x18, v58  }
0x5f: {  	v3 =	vand.u32 $0x7, v3  }
0x60: {  	v3 =	vor.u32 v3, v4  }
0x61: {  	v4 =	vperm.xlane v3, v0;
	_ =	sdelay $0x1  }
0x62: {  	v4 =	vadd.s32 v1, v4;
	_ =	sdelay $0x1  }
0x63: {  	v3 =	vperm.xlane v3, v2;
	_ =	sdelay $0x1  }
0x64: {  	s28 =	rddreg [dreg:$0x12];
	v3 =	vadd.s32 v1, v3  }
0x65: {  	[tilespmem:s28], [sflag:$0x1] =	stream.indirect_vreg.gather [hbm4b:s0+s5], $0x80, v4, vm0, $0xb8;
	[tilespmem:$0x1C600] =	vst v63  }
0x66: {  	s25 =	simm.s32 $0x3E00  }
0x67: {  	[tilespmem:s25], [sflag:$0x1] =	stream.indirect_vreg.gather [hbm4b:s7+s5], $0x80, v4, vm1, $0xb8;
	[tilespmem:$0x1C600] =	vst v63  }
0x68: {  	s29 =	rddreg [dreg:$0x13]  }
0x69: {  	[tilespmem:s29], [sflag:$0x1] =	stream.indirect_vreg.gather [hbm4b:s0+s5], $0x80, v3, vm0, $0xb8;
	[tilespmem:$0x1C600] =	vst v63  }
0x6a: {  	s26 =	simm.s32 $0x4A00  }
0x6b: {  	[tilespmem:s26], [sflag:$0x1] =	stream.indirect_vreg.gather [hbm4b:s7+s5], $0x80, v3, vm1, $0xb8;
	[tilespmem:$0x1C600] =	vst v63  }
0x6c: {  	v3 =	vld [tilespmem:$0x30];
	_ =	sdelay $0x4  }
0x6d: {  	v59 =	vshrl.u32 v3, $0x3  }
0x6e: {  	v4 =	vmul.u32 $0x18, v59  }
0x6f: {  	v3 =	vand.u32 $0x7, v3  }
0x70: {  	v3 =	vor.u32 v3, v4  }
0x71: {  	v4 =	vperm.xlane v3, v0;
	_ =	sdelay $0x1  }
0x72: {  	v4 =	vadd.s32 v1, v4;
	_ =	sdelay $0x1  }
0x73: {  	v3 =	vperm.xlane v3, v2;
	_ =	sdelay $0x1  }
0x74: {  	s30 =	rddreg [dreg:$0x14];
	v3 =	vadd.s32 v1, v3  }
0x75: {  	[tilespmem:s30], [sflag:$0x1] =	stream.indirect_vreg.gather [hbm4b:s0+s5], $0x80, v4, vm0, $0xb8;
	[tilespmem:$0x1C600] =	vst v63  }
0x76: {  	s28 =	simm.s32 $0x5600  }
0x77: {  	[tilespmem:s28], [sflag:$0x1] =	stream.indirect_vreg.gather [hbm4b:s7+s5], $0x80, v4, vm1, $0xb8;
	[tilespmem:$0x1C600] =	vst v63  }
0x78: {  	s31 =	rddreg [dreg:$0x15]  }
0x79: {  	[tilespmem:s31], [sflag:$0x1] =	stream.indirect_vreg.gather [hbm4b:s0+s5], $0x80, v3, vm0, $0xb8;
	[tilespmem:$0x1C600] =	vst v63  }
0x7a: {  	s29 =	simm.s32 $0x6200  }
0x7b: {  	[tilespmem:s29], [sflag:$0x1] =	stream.indirect_vreg.gather [hbm4b:s7+s5], $0x80, v3, vm1, $0xb8;
	[tilespmem:$0x1C600] =	vst v63  }
0x7c: {  	v3 =	vld [tilespmem:$0x40];
	_ =	sdelay $0x4  }
0x7d: {  	v60 =	vshrl.u32 v3, $0x3  }
0x7e: {  	v4 =	vmul.u32 $0x18, v60  }
0x7f: {  	v3 =	vand.u32 $0x7, v3  }
0x80: {  	v3 =	vor.u32 v3, v4  }
0x81: {  	v4 =	vperm.xlane v3, v0;
	_ =	sdelay $0x1  }
0x82: {  	v4 =	vadd.s32 v1, v4;
	_ =	sdelay $0x1  }
0x83: {  	v3 =	vperm.xlane v3, v2;
	_ =	sdelay $0x1  }
0x84: {  	s1 =	rddreg [dreg:$0x16];
	v3 =	vadd.s32 v1, v3  }
0x85: {  	[tilespmem:s1], [sflag:$0x1] =	stream.indirect_vreg.gather [hbm4b:s0+s5], $0x80, v4, vm0, $0xb8;
	[tilespmem:$0x1C600] =	vst v63  }
0x86: {  	s30 =	simm.s32 $0x6E00  }
0x87: {  	[tilespmem:s30], [sflag:$0x1] =	stream.indirect_vreg.gather [hbm4b:s7+s5], $0x80, v4, vm1, $0xb8;
	[tilespmem:$0x1C600] =	vst v63  }
0x88: {  	s3 =	rddreg [dreg:$0x17]  }
0x89: {  	[tilespmem:s3], [sflag:$0x1] =	stream.indirect_vreg.gather [hbm4b:s0+s5], $0x80, v3, vm0, $0xb8;
	[tilespmem:$0x1C600] =	vst v63  }
0x8a: {  	s31 =	simm.s32 $0x7A00  }
0x8b: {  	[tilespmem:s31], [sflag:$0x1] =	stream.indirect_vreg.gather [hbm4b:s7+s5], $0x80, v3, vm1, $0xb8;
	[tilespmem:$0x1C600] =	vst v63  }
0x8c: {  	v3 =	vld [tilespmem:$0x50];
	_ =	sdelay $0x4  }
0x8d: {  	v61 =	vshrl.u32 v3, $0x3  }
0x8e: {  	v4 =	vmul.u32 $0x18, v61  }
0x8f: {  	v3 =	vand.u32 $0x7, v3  }
0x90: {  	v3 =	vor.u32 v3, v4  }
0x91: {  	v4 =	vperm.xlane v3, v0;
	_ =	sdelay $0x1  }
0x92: {  	v4 =	vadd.s32 v1, v4;
	_ =	sdelay $0x1  }
0x93: {  	v3 =	vperm.xlane v3, v2;
	_ =	sdelay $0x1  }
0x94: {  	s6 =	rddreg [dreg:$0x18];
	v3 =	vadd.s32 v1, v3  }
0x95: {  	[tilespmem:s6], [sflag:$0x1] =	stream.indirect_vreg.gather [hbm4b:s0+s5], $0x80, v4, vm0, $0xb8;
	[tilespmem:$0x1C600] =	vst v63  }
0x96: {  	s3 =	simm.s32 $0x8600  }
0x97: {  	[tilespmem:s3], [sflag:$0x1] =	stream.indirect_vreg.gather [hbm4b:s7+s5], $0x80, v4, vm1, $0xb8;
	[tilespmem:$0x1C600] =	vst v63  }
0x98: {  	s9 =	rddreg [dreg:$0x19]  }
0x99: {  	[tilespmem:s9], [sflag:$0x1] =	stream.indirect_vreg.gather [hbm4b:s0+s5], $0x80, v3, vm0, $0xb8;
	[tilespmem:$0x1C600] =	vst v63  }
0x9a: {  	s1 =	simm.s32 $0x9200  }
0x9b: {  	[tilespmem:s1], [sflag:$0x1] =	stream.indirect_vreg.gather [hbm4b:s7+s5], $0x80, v3, vm1, $0xb8;
	[tilespmem:$0x1C600] =	vst v63  }
0x9c: {  	v3 =	vld [tilespmem:$0x60];
	_ =	sdelay $0x4  }
0x9d: {  	v62 =	vshrl.u32 v3, $0x3  }
0x9e: {  	v4 =	vmul.u32 $0x18, v62  }
0x9f: {  	v3 =	vand.u32 $0x7, v3  }
0xa0: {  	v3 =	vor.u32 v3, v4  }
0xa1: {  	v4 =	vperm.xlane v3, v0;
	_ =	sdelay $0x1  }
0xa2: {  	v4 =	vadd.s32 v1, v4;
	_ =	sdelay $0x1  }
0xa3: {  	v3 =	vperm.xlane v3, v2;
	_ =	sdelay $0x1  }
0xa4: {  	s11 =	rddreg [dreg:$0x1a];
	v3 =	vadd.s32 v1, v3  }
0xa5: {  	[tilespmem:s11], [sflag:$0x1] =	stream.indirect_vreg.gather [hbm4b:s0+s5], $0x80, v4, vm0, $0xb8;
	[tilespmem:$0x1C600] =	vst v63  }
0xa6: {  	s11 =	simm.s32 $0x9E00  }
0xa7: {  	[tilespmem:s11], [sflag:$0x1] =	stream.indirect_vreg.gather [hbm4b:s7+s5], $0x80, v4, vm1, $0xb8;
	[tilespmem:$0x1C600] =	vst v63  }
0xa8: {  	s12 =	rddreg [dreg:$0x1b]  }
0xa9: {  	[tilespmem:s12], [sflag:$0x1] =	stream.indirect_vreg.gather [hbm4b:s0+s5], $0x80, v3, vm0, $0xb8;
	[tilespmem:$0x1C600] =	vst v63  }
0xaa: {  	s6 =	simm.s32 $0xAA00  }
0xab: {  	[tilespmem:s6], [sflag:$0x1] =	stream.indirect_vreg.gather [hbm4b:s7+s5], $0x80, v3, vm1, $0xb8;
	[tilespmem:$0x1C600] =	vst v63  }
0xac: {  	v3 =	vld [tilespmem:$0x70];
	_ =	sdelay $0x4  }
0xad: {  	v63 =	vshrl.u32 v3, $0x3  }
0xae: {  	v4 =	vmul.u32 $0x18, v63  }
0xaf: {  	v3 =	vand.u32 $0x7, v3  }
0xb0: {  	v3 =	vor.u32 v3, v4  }
0xb1: {  	v4 =	vperm.xlane v3, v0;
	_ =	sdelay $0x1  }
0xb2: {  	v4 =	vadd.s32 v1, v4;
	_ =	sdelay $0x1  }
0xb3: {  	v3 =	vperm.xlane v3, v2;
	_ =	sdelay $0x1  }
0xb4: {  	s13 =	rddreg [dreg:$0x1c];
	v3 =	vadd.s32 v1, v3  }
0xb5: {  	[tilespmem:s13], [sflag:$0x1] =	stream.indirect_vreg.gather [hbm4b:s0+s5], $0x80, v4, vm0, $0xb8;
	[tilespmem:$0x1C600] =	vst v63  }
0xb6: {  	s12 =	simm.s32 $0xB600  }
0xb7: {  	[tilespmem:s12], [sflag:$0x1] =	stream.indirect_vreg.gather [hbm4b:s7+s5], $0x80, v4, vm1, $0xb8;
	[tilespmem:$0x1C600] =	vst v63  }
0xb8: {  	s14 =	rddreg [dreg:$0x1d]  }
0xb9: {  	[tilespmem:s14], [sflag:$0x1] =	stream.indirect_vreg.gather [hbm4b:s0+s5], $0x80, v3, vm0, $0xb8;
	[tilespmem:$0x1C600] =	vst v63  }
0xba: {  	s13 =	simm.s32 $0xC200  }
0xbb: {  	[tilespmem:s13], [sflag:$0x1] =	stream.indirect_vreg.gather [hbm4b:s7+s5], $0x80, v3, vm1, $0xb8;
	[tilespmem:$0x1C600] =	vst v63  }
0xbc: {  	v3 =	vld [tilespmem:$0x80];
	_ =	sdelay $0x4  }
0xbd: {  	v8 =	vshrl.u32 v3, $0x3  }
0xbe: {  	v4 =	vmul.u32 $0x18, v8  }
0xbf: {  	v3 =	vand.u32 $0x7, v3  }
0xc0: {  	v3 =	vor.u32 v3, v4  }
0xc1: {  	v4 =	vperm.xlane v3, v0;
	_ =	sdelay $0x1  }
0xc2: {  	v4 =	vadd.s32 v1, v4;
	_ =	sdelay $0x1  }
0xc3: {  	v3 =	vperm.xlane v3, v2;
	_ =	sdelay $0x1  }
0xc4: {  	s14 =	simm.s32 $0xC600;
	v3 =	vadd.s32 v1, v3  }
0xc5: {  	[tilespmem:s14], [sflag:$0x2] =	stream.indirect_vreg.gather [hbm4b:s0+s5], $0x80, v4, vm0, $0xb8;
	[tilespmem:$0x1C600] =	vst v63  }
0xc6: {  	s15 =	simm.s32 $0xCE00  }
0xc7: {  	[tilespmem:s15], [sflag:$0x2] =	stream.indirect_vreg.gather [hbm4b:s7+s5], $0x80, v4, vm1, $0xb8;
	[tilespmem:$0x1C600] =	vst v63  }
0xc8: {  	s16 =	simm.s32 $0xD200  }
0xc9: {  	[tilespmem:s16], [sflag:$0x2] =	stream.indirect_vreg.gather [hbm4b:s0+s5], $0x80, v3, vm0, $0xb8;
	[tilespmem:$0x1C600] =	vst v63  }
0xca: {  	s17 =	simm.s32 $0xDA00  }
0xcb: {  	[tilespmem:s17], [sflag:$0x2] =	stream.indirect_vreg.gather [hbm4b:s7+s5], $0x80, v3, vm1, $0xb8;
	[tilespmem:$0x1C600] =	vst v63  }
0xcc: {  	v3 =	vld [tilespmem:$0x90];
	_ =	sdelay $0x4  }
0xcd: {  	v9 =	vshrl.u32 v3, $0x3  }
0xce: {  	v4 =	vmul.u32 $0x18, v9  }
0xcf: {  	v3 =	vand.u32 $0x7, v3  }
0xd0: {  	v3 =	vor.u32 v3, v4  }
0xd1: {  	v4 =	vperm.xlane v3, v0;
	_ =	sdelay $0x1  }
0xd2: {  	v4 =	vadd.s32 v1, v4;
	_ =	sdelay $0x1  }
0xd3: {  	v3 =	vperm.xlane v3, v2;
	_ =	sdelay $0x1  }
0xd4: {  	s18 =	simm.s32 $0xDE00;
	v3 =	vadd.s32 v1, v3  }
0xd5: {  	[tilespmem:s18], [sflag:$0x2] =	stream.indirect_vreg.gather [hbm4b:s0+s5], $0x80, v4, vm0, $0xb8;
	[tilespmem:$0x1C600] =	vst v63  }
0xd6: {  	s19 =	simm.s32 $0xE600  }
0xd7: {  	[tilespmem:s19], [sflag:$0x2] =	stream.indirect_vreg.gather [hbm4b:s7+s5], $0x80, v4, vm1, $0xb8;
	[tilespmem:$0x1C600] =	vst v63  }
0xd8: {  	s9 =	simm.s32 $0xEA00  }
0xd9: {  	[tilespmem:s9], [sflag:$0x2] =	stream.indirect_vreg.gather [hbm4b:s0+s5], $0x80, v3, vm0, $0xb8;
	[tilespmem:$0x1C600] =	vst v63  }
0xda: {  	s15 =	simm.s32 $0xF200  }
0xdb: {  	[tilespmem:s15], [sflag:$0x2] =	stream.indirect_vreg.gather [hbm4b:s7+s5], $0x80, v3, vm1, $0xb8;
	[tilespmem:$0x1C600] =	vst v63  }
0xdc: {  	v3 =	vld [tilespmem:$0xA0];
	_ =	sdelay $0x4  }
0xdd: {  	v10 =	vshrl.u32 v3, $0x3  }
0xde: {  	v4 =	vmul.u32 $0x18, v10  }
0xdf: {  	v3 =	vand.u32 $0x7, v3  }
0xe0: {  	v3 =	vor.u32 v3, v4  }
0xe1: {  	v4 =	vperm.xlane v3, v0;
	_ =	sdelay $0x1  }
0xe2: {  	v4 =	vadd.s32 v1, v4;
	_ =	sdelay $0x1  }
0xe3: {  	v3 =	vperm.xlane v3, v2;
	_ =	sdelay $0x1  }
0xe4: {  	s16 =	simm.s32 $0xF600;
	v3 =	vadd.s32 v1, v3  }
0xe5: {  	[tilespmem:s16], [sflag:$0x2] =	stream.indirect_vreg.gather [hbm4b:s0+s5], $0x80, v4, vm0, $0xb8;
	[tilespmem:$0x1C600] =	vst v63  }
0xe6: {  	s17 =	simm.s32 $0xFE00  }
0xe7: {  	[tilespmem:s17], [sflag:$0x2] =	stream.indirect_vreg.gather [hbm4b:s7+s5], $0x80, v4, vm1, $0xb8;
	[tilespmem:$0x1C600] =	vst v63  }
0xe8: {  	s18 =	simm.s32 $0x10200  }
0xe9: {  	[tilespmem:s18], [sflag:$0x2] =	stream.indirect_vreg.gather [hbm4b:s0+s5], $0x80, v3, vm0, $0xb8;
	[tilespmem:$0x1C600] =	vst v63  }
0xea: {  	s19 =	simm.s32 $0x10A00  }
0xeb: {  	[tilespmem:s19], [sflag:$0x2] =	stream.indirect_vreg.gather [hbm4b:s7+s5], $0x80, v3, vm1, $0xb8;
	[tilespmem:$0x1C600] =	vst v63  }
0xec: {  	v3 =	vld [tilespmem:$0xB0];
	_ =	sdelay $0x4  }
0xed: {  	v11 =	vshrl.u32 v3, $0x3  }
0xee: {  	v4 =	vmul.u32 $0x18, v11  }
0xef: {  	v3 =	vand.u32 $0x7, v3  }
0xf0: {  	v3 =	vor.u32 v3, v4  }
0xf1: {  	v4 =	vperm.xlane v3, v0;
	_ =	sdelay $0x1  }
0xf2: {  	v4 =	vadd.s32 v1, v4;
	_ =	sdelay $0x1  }
0xf3: {  	v3 =	vperm.xlane v3, v2;
	_ =	sdelay $0x1  }
0xf4: {  	s9 =	simm.s32 $0x10E00;
	v3 =	vadd.s32 v1, v3  }
0xf5: {  	[tilespmem:s9], [sflag:$0x2] =	stream.indirect_vreg.gather [hbm4b:s0+s5], $0x80, v4, vm0, $0xb8;
	[tilespmem:$0x1C600] =	vst v63  }
0xf6: {  	s16 =	simm.s32 $0x11600  }
0xf7: {  	[tilespmem:s16], [sflag:$0x2] =	stream.indirect_vreg.gather [hbm4b:s7+s5], $0x80, v4, vm1, $0xb8;
	[tilespmem:$0x1C600] =	vst v63  }
0xf8: {  	s17 =	simm.s32 $0x11A00  }
0xf9: {  	[tilespmem:s17], [sflag:$0x2] =	stream.indirect_vreg.gather [hbm4b:s0+s5], $0x80, v3, vm0, $0xb8;
	[tilespmem:$0x1C600] =	vst v63  }
0xfa: {  	s18 =	simm.s32 $0x12200  }
0xfb: {  	[tilespmem:s18], [sflag:$0x2] =	stream.indirect_vreg.gather [hbm4b:s7+s5], $0x80, v3, vm1, $0xb8;
	[tilespmem:$0x1C600] =	vst v63  }
0xfc: {  	v3 =	vld [tilespmem:$0xC0];
	_ =	sdelay $0x4  }
0xfd: {  	v12 =	vshrl.u32 v3, $0x3  }
0xfe: {  	v4 =	vmul.u32 $0x18, v12  }
0xff: {  	v3 =	vand.u32 $0x7, v3  }
0x100: {  	v3 =	vor.u32 v3, v4  }
0x101: {  	v4 =	vperm.xlane v3, v0;
	_ =	sdelay $0x1  }
0x102: {  	v4 =	vadd.s32 v1, v4;
	_ =	sdelay $0x1  }
0x103: {  	v3 =	vperm.xlane v3, v2;
	_ =	sdelay $0x1  }
0x104: {  	s19 =	simm.s32 $0x12600;
	v3 =	vadd.s32 v1, v3  }
0x105: {  	[tilespmem:s19], [sflag:$0x2] =	stream.indirect_vreg.gather [hbm4b:s0+s5], $0x80, v4, vm0, $0xb8;
	[tilespmem:$0x1C600] =	vst v63  }
0x106: {  	s9 =	simm.s32 $0x12E00  }
0x107: {  	[tilespmem:s9], [sflag:$0x2] =	stream.indirect_vreg.gather [hbm4b:s7+s5], $0x80, v4, vm1, $0xb8;
	[tilespmem:$0x1C600] =	vst v63  }
0x108: {  	s17 =	simm.s32 $0x13200  }
0x109: {  	[tilespmem:s17], [sflag:$0x2] =	stream.indirect_vreg.gather [hbm4b:s0+s5], $0x80, v3, vm0, $0xb8;
	[tilespmem:$0x1C600] =	vst v63  }
0x10a: {  	s18 =	simm.s32 $0x13A00  }
0x10b: {  	[tilespmem:s18], [sflag:$0x2] =	stream.indirect_vreg.gather [hbm4b:s7+s5], $0x80, v3, vm1, $0xb8;
	[tilespmem:$0x1C600] =	vst v63  }
0x10c: {  	v3 =	vld [tilespmem:$0xD0];
	_ =	sdelay $0x4  }
0x10d: {  	v13 =	vshrl.u32 v3, $0x3  }
0x10e: {  	v4 =	vmul.u32 $0x18, v13  }
0x10f: {  	v3 =	vand.u32 $0x7, v3  }
0x110: {  	v3 =	vor.u32 v3, v4  }
0x111: {  	v4 =	vperm.xlane v3, v0;
	_ =	sdelay $0x1  }
0x112: {  	v4 =	vadd.s32 v1, v4;
	_ =	sdelay $0x1  }
0x113: {  	v3 =	vperm.xlane v3, v2;
	_ =	sdelay $0x1  }
0x114: {  	s19 =	simm.s32 $0x13E00;
	v3 =	vadd.s32 v1, v3  }
0x115: {  	[tilespmem:s19], [sflag:$0x2] =	stream.indirect_vreg.gather [hbm4b:s0+s5], $0x80, v4, vm0, $0xb8;
	[tilespmem:$0x1C600] =	vst v63  }
0x116: {  	s9 =	simm.s32 $0x14600  }
0x117: {  	[tilespmem:s9], [sflag:$0x2] =	stream.indirect_vreg.gather [hbm4b:s7+s5], $0x80, v4, vm1, $0xb8;
	[tilespmem:$0x1C600] =	vst v63  }
0x118: {  	s17 =	simm.s32 $0x14A00  }
0x119: {  	[tilespmem:s17], [sflag:$0x2] =	stream.indirect_vreg.gather [hbm4b:s0+s5], $0x80, v3, vm0, $0xb8;
	[tilespmem:$0x1C600] =	vst v63  }
0x11a: {  	s18 =	simm.s32 $0x15200  }
0x11b: {  	[tilespmem:s18], [sflag:$0x2] =	stream.indirect_vreg.gather [hbm4b:s7+s5], $0x80, v3, vm1, $0xb8;
	[tilespmem:$0x1C600] =	vst v63  }
0x11c: {  	v3 =	vld [tilespmem:$0xE0];
	_ =	sdelay $0x4  }
0x11d: {  	v14 =	vshrl.u32 v3, $0x3  }
0x11e: {  	v4 =	vmul.u32 $0x18, v14  }
0x11f: {  	v3 =	vand.u32 $0x7, v3  }
0x120: {  	v3 =	vor.u32 v3, v4  }
0x121: {  	v4 =	vperm.xlane v3, v0;
	_ =	sdelay $0x1  }
0x122: {  	v4 =	vadd.s32 v1, v4;
	_ =	sdelay $0x1  }
0x123: {  	v3 =	vperm.xlane v3, v2;
	_ =	sdelay $0x1  }
0x124: {  	s19 =	simm.s32 $0x15600;
	v3 =	vadd.s32 v1, v3  }
0x125: {  	[tilespmem:s19], [sflag:$0x2] =	stream.indirect_vreg.gather [hbm4b:s0+s5], $0x80, v4, vm0, $0xb8;
	[tilespmem:$0x1C600] =	vst v63  }
0x126: {  	s9 =	simm.s32 $0x15E00  }
0x127: {  	[tilespmem:s9], [sflag:$0x2] =	stream.indirect_vreg.gather [hbm4b:s7+s5], $0x80, v4, vm1, $0xb8;
	[tilespmem:$0x1C600] =	vst v63  }
0x128: {  	s17 =	simm.s32 $0x16200  }
0x129: {  	[tilespmem:s17], [sflag:$0x2] =	stream.indirect_vreg.gather [hbm4b:s0+s5], $0x80, v3, vm0, $0xb8;
	[tilespmem:$0x1C600] =	vst v63  }
0x12a: {  	s18 =	simm.s32 $0x16A00  }
0x12b: {  	[tilespmem:s18], [sflag:$0x2] =	stream.indirect_vreg.gather [hbm4b:s7+s5], $0x80, v3, vm1, $0xb8;
	[tilespmem:$0x1C600] =	vst v63  }
0x12c: {  	v3 =	vld [tilespmem:$0xF0];
	_ =	sdelay $0x4  }
0x12d: {  	v15 =	vshrl.u32 v3, $0x3  }
0x12e: {  	v4 =	vmul.u32 $0x18, v15  }
0x12f: {  	v3 =	vand.u32 $0x7, v3  }
0x130: {  	v3 =	vor.u32 v3, v4  }
0x131: {  	v4 =	vperm.xlane v3, v0;
	_ =	sdelay $0x1  }
0x132: {  	v4 =	vadd.s32 v1, v4;
	_ =	sdelay $0x1  }
0x133: {  	v3 =	vperm.xlane v3, v2;
	_ =	sdelay $0x1  }
0x134: {  	s19 =	simm.s32 $0x16E00;
	v3 =	vadd.s32 v1, v3  }
0x135: {  	[tilespmem:s19], [sflag:$0x2] =	stream.indirect_vreg.gather [hbm4b:s0+s5], $0x80, v4, vm0, $0xb8;
	[tilespmem:$0x1C600] =	vst v63  }
0x136: {  	s9 =	simm.s32 $0x17600  }
0x137: {  	[tilespmem:s9], [sflag:$0x2] =	stream.indirect_vreg.gather [hbm4b:s7+s5], $0x80, v4, vm1, $0xb8;
	[tilespmem:$0x1C600] =	vst v63  }
0x138: {  	s14 =	rddreg [dreg:$0x1e];
	s17 =	simm.s32 $0x17A00  }
0x139: {  	[tilespmem:s17], [sflag:$0x2] =	stream.indirect_vreg.gather [hbm4b:s0+s5], $0x80, v3, vm0, $0xb8;
	[tilespmem:$0x1C600] =	vst v63  }
0x13a: {  	s18 =	rddreg [dreg:$0x8];
	s9 =	simm.s32 $0x18200  }
0x13b: {  	[tilespmem:s9], [sflag:$0x2] =	stream.indirect_vreg.gather [hbm4b:s7+s5], $0x80, v3, vm1, $0xb8;
	[tilespmem:$0x1C600] =	vst v63  }
0x13c: {  	s19 =	rddreg [dreg:$0x1f];
	s9 =	simm.s32 $0x18600  }
0x13d: {  	[tilespmem:s9], [sflag:$0x3] =	stream.indirect.gather [hbm4b:s18+s14], $0x80, s19, s14, $0xb8;
	[tilespmem:$0x1C600] =	vst v63  }
0x13e: {  	s14 =	simm.s32 $0x1  }
0x13f: {  	_ =	swait.ge [sflag:s14], $0xC000  }
0x140: {  	[sflag:s14] =	ssyncset.done $0x0  }
0x141: {  	s19 =	rddreg [dreg:$0xb];
	[sflag:s14] =	ssyncadd.s32 $0xFFFF4000  }
0x142: {  	[hbm4b:s19+s5] =	stream.linear.scatter [tilespmem:s20], [sflag:$0x4], $0xC000, $0x38;
	[tilespmem:$0x1C600] =	vst v63  }
0x143: {  	_ =	swait.ge [sflag:s10], $0xC000  }
0x144: {  	[sflag:s10] =	ssyncset.done $0x0  }
0x145: {  	[sflag:s10] =	ssyncadd.s32 $0xFFFF4000  }
0x146: {  	v3 =	vld [tilespmem:$0x380];
	_ =	sdelay $0x4  }
0x147: {  	v16 =	vperm.xlane v3, v0;
	_ =	sdelay $0x1  }
0x148: {  	v3 =	vperm.xlane v3, v2;
	v4 =	vadd.s32 v1, v16;
	_ =	sdelay $0x1  }
0x149: {  	s20 =	sld [smem:$0x7EE];
	v3 =	vadd.s32 v1, v3;
	_ =	sdelay $0x1  }
0x14a: {  	s9 =	sld [smem:$0x7EF]  }
0x14b: {  	[hbm4b:s4+s5] =	stream.indirect_vreg.scatter [tilespmem:s20], [sflag:$0x1], $0x80, v4, vm1, $0xb8;
	[tilespmem:$0x1C600] =	vst v63  }
0x14c: {  	_ = 	snop  }
0x14d: {  	[hbm4b:s4+s5] =	stream.indirect_vreg.scatter [tilespmem:s9], [sflag:$0x1], $0x80, v3, vm1, $0xb8;
	[tilespmem:$0x1C600] =	vst v63  }
0x14e: {  	v3 =	vld [tilespmem:$0x390];
	_ =	sdelay $0x4  }
0x14f: {  	v17 =	vperm.xlane v3, v0;
	_ =	sdelay $0x1  }
0x150: {  	v3 =	vperm.xlane v3, v2;
	v4 =	vadd.s32 v1, v17;
	_ =	sdelay $0x1  }
0x151: {  	s18 =	sld [smem:$0x7F0];
	v3 =	vadd.s32 v1, v3;
	_ =	sdelay $0x1  }
0x152: {  	s19 =	sld [smem:$0x7F1]  }
0x153: {  	[hbm4b:s4+s5] =	stream.indirect_vreg.scatter [tilespmem:s18], [sflag:$0x1], $0x80, v4, vm1, $0xb8;
	[tilespmem:$0x1C600] =	vst v63  }
0x154: {  	_ = 	snop  }
0x155: {  	[hbm4b:s4+s5] =	stream.indirect_vreg.scatter [tilespmem:s19], [sflag:$0x1], $0x80, v3, vm1, $0xb8;
	[tilespmem:$0x1C600] =	vst v63  }
0x156: {  	v3 =	vld [tilespmem:$0x3A0];
	_ =	sdelay $0x4  }
0x157: {  	v18 =	vperm.xlane v3, v0;
	_ =	sdelay $0x1  }
0x158: {  	v3 =	vperm.xlane v3, v2;
	v4 =	vadd.s32 v1, v18;
	_ =	sdelay $0x1  }
0x159: {  	s20 =	sld [smem:$0x7F2];
	v3 =	vadd.s32 v1, v3;
	_ =	sdelay $0x1  }
0x15a: {  	s9 =	sld [smem:$0x7F3]  }
0x15b: {  	[hbm4b:s4+s5] =	stream.indirect_vreg.scatter [tilespmem:s20], [sflag:$0x1], $0x80, v4, vm1, $0xb8;
	[tilespmem:$0x1C600] =	vst v63  }
0x15c: {  	_ = 	snop  }
0x15d: {  	[hbm4b:s4+s5] =	stream.indirect_vreg.scatter [tilespmem:s9], [sflag:$0x1], $0x80, v3, vm1, $0xb8;
	[tilespmem:$0x1C600] =	vst v63  }
0x15e: {  	v3 =	vld [tilespmem:$0x3B0];
	_ =	sdelay $0x4  }
0x15f: {  	v19 =	vperm.xlane v3, v0;
	_ =	sdelay $0x1  }
0x160: {  	v3 =	vperm.xlane v3, v2;
	v4 =	vadd.s32 v1, v19;
	_ =	sdelay $0x1  }
0x161: {  	s18 =	sld [smem:$0x7F4];
	v3 =	vadd.s32 v1, v3;
	_ =	sdelay $0x1  }
0x162: {  	s19 =	sld [smem:$0x7F5]  }
0x163: {  	[hbm4b:s4+s5] =	stream.indirect_vreg.scatter [tilespmem:s18], [sflag:$0x1], $0x80, v4, vm1, $0xb8;
	[tilespmem:$0x1C600] =	vst v63  }
0x164: {  	_ = 	snop  }
0x165: {  	[hbm4b:s4+s5] =	stream.indirect_vreg.scatter [tilespmem:s19], [sflag:$0x1], $0x80, v3, vm1, $0xb8;
	[tilespmem:$0x1C600] =	vst v63  }
0x166: {  	v3 =	vld [tilespmem:$0x3C0];
	_ =	sdelay $0x4  }
0x167: {  	v20 =	vperm.xlane v3, v0;
	_ =	sdelay $0x1  }
0x168: {  	v3 =	vperm.xlane v3, v2;
	v4 =	vadd.s32 v1, v20;
	_ =	sdelay $0x1  }
0x169: {  	s20 =	sld [smem:$0x7F6];
	v3 =	vadd.s32 v1, v3;
	_ =	sdelay $0x1  }
0x16a: {  	s9 =	sld [smem:$0x7F7]  }
0x16b: {  	[hbm4b:s4+s5] =	stream.indirect_vreg.scatter [tilespmem:s20], [sflag:$0x1], $0x80, v4, vm1, $0xb8;
	[tilespmem:$0x1C600] =	vst v63  }
0x16c: {  	_ = 	snop  }
0x16d: {  	[hbm4b:s4+s5] =	stream.indirect_vreg.scatter [tilespmem:s9], [sflag:$0x1], $0x80, v3, vm1, $0xb8;
	[tilespmem:$0x1C600] =	vst v63  }
0x16e: {  	v3 =	vld [tilespmem:$0x3D0];
	_ =	sdelay $0x4  }
0x16f: {  	v21 =	vperm.xlane v3, v0;
	_ =	sdelay $0x1  }
0x170: {  	v3 =	vperm.xlane v3, v2;
	v4 =	vadd.s32 v1, v21;
	_ =	sdelay $0x1  }
0x171: {  	s18 =	sld [smem:$0x7F8];
	v3 =	vadd.s32 v1, v3;
	_ =	sdelay $0x1  }
0x172: {  	s19 =	sld [smem:$0x7F9]  }
0x173: {  	[hbm4b:s4+s5] =	stream.indirect_vreg.scatter [tilespmem:s18], [sflag:$0x1], $0x80, v4, vm1, $0xb8;
	[tilespmem:$0x1C600] =	vst v63  }
0x174: {  	_ = 	snop  }
0x175: {  	[hbm4b:s4+s5] =	stream.indirect_vreg.scatter [tilespmem:s19], [sflag:$0x1], $0x80, v3, vm1, $0xb8;
	[tilespmem:$0x1C600] =	vst v63  }
0x176: {  	v3 =	vld [tilespmem:$0x3E0];
	_ =	sdelay $0x4  }
0x177: {  	v22 =	vperm.xlane v3, v0;
	_ =	sdelay $0x1  }
0x178: {  	v3 =	vperm.xlane v3, v2;
	v4 =	vadd.s32 v1, v22;
	_ =	sdelay $0x1  }
0x179: {  	s20 =	sld [smem:$0x7FA];
	v3 =	vadd.s32 v1, v3;
	_ =	sdelay $0x1  }
0x17a: {  	s9 =	sld [smem:$0x7FB]  }
0x17b: {  	[hbm4b:s4+s5] =	stream.indirect_vreg.scatter [tilespmem:s20], [sflag:$0x1], $0x80, v4, vm1, $0xb8;
	[tilespmem:$0x1C600] =	vst v63  }
0x17c: {  	_ = 	snop  }
0x17d: {  	[hbm4b:s4+s5] =	stream.indirect_vreg.scatter [tilespmem:s9], [sflag:$0x1], $0x80, v3, vm1, $0xb8;
	[tilespmem:$0x1C600] =	vst v63  }
0x17e: {  	v3 =	vld [tilespmem:$0x3F0];
	_ =	sdelay $0x4  }
0x17f: {  	v23 =	vperm.xlane v3, v0;
	_ =	sdelay $0x1  }
0x180: {  	v3 =	vperm.xlane v3, v2;
	v4 =	vadd.s32 v1, v23;
	_ =	sdelay $0x1  }
0x181: {  	s19 =	sld [smem:$0x7FC];
	v3 =	vadd.s32 v1, v3;
	_ =	sdelay $0x1  }
0x182: {  	s20 =	sld [smem:$0x7FD]  }
0x183: {  	[hbm4b:s4+s5] =	stream.indirect_vreg.scatter [tilespmem:s19], [sflag:$0x1], $0x80, v4, vm1, $0xb8;
	[tilespmem:$0x1C600] =	vst v63  }
0x184: {  	_ = 	snop  }
0x185: {  	[hbm4b:s4+s5] =	stream.indirect_vreg.scatter [tilespmem:s20], [sflag:$0x1], $0x80, v3, vm1, $0xb8;
	[tilespmem:$0x1C600] =	vst v63  }
0x186: {  	_ =	swait.ge [sflag:s14], $0x4000  }
0x187: {  	[sflag:s14] =	ssyncset.done $0x0  }
0x188: {  	[sflag:s14] =	ssyncadd.s32 $0xFFFFC000  }
0x189: {  	v3 =	vld [tilespmem:$0x400];
	_ =	sdelay $0x4  }
0x18a: {  	v24 =	vperm.xlane v3, v0;
	_ =	sdelay $0x1  }
0x18b: {  	v3 =	vperm.xlane v3, v2;
	v4 =	vadd.s32 v1, v24;
	_ =	sdelay $0x1  }
0x18c: {  	v3 =	vadd.s32 v1, v3;
	_ =	sdelay $0x2  }
0x18d: {  	[hbm4b:s4+s5] =	stream.indirect_vreg.scatter [tilespmem:s21], [sflag:$0x1], $0x80, v4, vm1, $0xb8;
	[tilespmem:$0x1C600] =	vst v63  }
0x18e: {  	_ = 	snop  }
0x18f: {  	[hbm4b:s4+s5] =	stream.indirect_vreg.scatter [tilespmem:s22], [sflag:$0x1], $0x80, v3, vm1, $0xb8;
	[tilespmem:$0x1C600] =	vst v63  }
0x190: {  	v3 =	vld [tilespmem:$0x410];
	_ =	sdelay $0x4  }
0x191: {  	v25 =	vperm.xlane v3, v0;
	_ =	sdelay $0x1  }
0x192: {  	v3 =	vperm.xlane v3, v2;
	v4 =	vadd.s32 v1, v25;
	_ =	sdelay $0x1  }
0x193: {  	v3 =	vadd.s32 v1, v3;
	_ =	sdelay $0x2  }
0x194: {  	[hbm4b:s4+s5] =	stream.indirect_vreg.scatter [tilespmem:s23], [sflag:$0x1], $0x80, v4, vm1, $0xb8;
	[tilespmem:$0x1C600] =	vst v63  }
0x195: {  	_ = 	snop  }
0x196: {  	[hbm4b:s4+s5] =	stream.indirect_vreg.scatter [tilespmem:s24], [sflag:$0x1], $0x80, v3, vm1, $0xb8;
	[tilespmem:$0x1C600] =	vst v63  }
0x197: {  	v3 =	vld [tilespmem:$0x420];
	_ =	sdelay $0x4  }
0x198: {  	v26 =	vperm.xlane v3, v0;
	_ =	sdelay $0x1  }
0x199: {  	v3 =	vperm.xlane v3, v2;
	v4 =	vadd.s32 v1, v26;
	_ =	sdelay $0x1  }
0x19a: {  	v3 =	vadd.s32 v1, v3;
	_ =	sdelay $0x2  }
0x19b: {  	[hbm4b:s4+s5] =	stream.indirect_vreg.scatter [tilespmem:s25], [sflag:$0x1], $0x80, v4, vm1, $0xb8;
	[tilespmem:$0x1C600] =	vst v63  }
0x19c: {  	_ = 	snop  }
0x19d: {  	[hbm4b:s4+s5] =	stream.indirect_vreg.scatter [tilespmem:s26], [sflag:$0x1], $0x80, v3, vm1, $0xb8;
	[tilespmem:$0x1C600] =	vst v63  }
0x19e: {  	v3 =	vld [tilespmem:$0x430];
	_ =	sdelay $0x4  }
0x19f: {  	v27 =	vperm.xlane v3, v0;
	_ =	sdelay $0x1  }
0x1a0: {  	v3 =	vperm.xlane v3, v2;
	v4 =	vadd.s32 v1, v27;
	_ =	sdelay $0x1  }
0x1a1: {  	v3 =	vadd.s32 v1, v3;
	_ =	sdelay $0x2  }
0x1a2: {  	[hbm4b:s4+s5] =	stream.indirect_vreg.scatter [tilespmem:s28], [sflag:$0x1], $0x80, v4, vm1, $0xb8;
	[tilespmem:$0x1C600] =	vst v63  }
0x1a3: {  	_ = 	snop  }
0x1a4: {  	[hbm4b:s4+s5] =	stream.indirect_vreg.scatter [tilespmem:s29], [sflag:$0x1], $0x80, v3, vm1, $0xb8;
	[tilespmem:$0x1C600] =	vst v63  }
0x1a5: {  	v3 =	vld [tilespmem:$0x440];
	_ =	sdelay $0x4  }
0x1a6: {  	v28 =	vperm.xlane v3, v0;
	_ =	sdelay $0x1  }
0x1a7: {  	v3 =	vperm.xlane v3, v2;
	v4 =	vadd.s32 v1, v28;
	_ =	sdelay $0x1  }
0x1a8: {  	v3 =	vadd.s32 v1, v3;
	_ =	sdelay $0x2  }
0x1a9: {  	[hbm4b:s4+s5] =	stream.indirect_vreg.scatter [tilespmem:s30], [sflag:$0x1], $0x80, v4, vm1, $0xb8;
	[tilespmem:$0x1C600] =	vst v63  }
0x1aa: {  	_ = 	snop  }
0x1ab: {  	[hbm4b:s4+s5] =	stream.indirect_vreg.scatter [tilespmem:s31], [sflag:$0x1], $0x80, v3, vm1, $0xb8;
	[tilespmem:$0x1C600] =	vst v63  }
0x1ac: {  	v3 =	vld [tilespmem:$0x450];
	_ =	sdelay $0x4  }
0x1ad: {  	v29 =	vperm.xlane v3, v0;
	_ =	sdelay $0x1  }
0x1ae: {  	v3 =	vperm.xlane v3, v2;
	v4 =	vadd.s32 v1, v29;
	_ =	sdelay $0x1  }
0x1af: {  	v3 =	vadd.s32 v1, v3;
	_ =	sdelay $0x2  }
0x1b0: {  	[hbm4b:s4+s5] =	stream.indirect_vreg.scatter [tilespmem:s3], [sflag:$0x1], $0x80, v4, vm1, $0xb8;
	[tilespmem:$0x1C600] =	vst v63  }
0x1b1: {  	_ = 	snop  }
0x1b2: {  	[hbm4b:s4+s5] =	stream.indirect_vreg.scatter [tilespmem:s1], [sflag:$0x1], $0x80, v3, vm1, $0xb8;
	[tilespmem:$0x1C600] =	vst v63  }
0x1b3: {  	v3 =	vld [tilespmem:$0x460];
	_ =	sdelay $0x4  }
0x1b4: {  	v30 =	vperm.xlane v3, v0;
	_ =	sdelay $0x1  }
0x1b5: {  	v3 =	vperm.xlane v3, v2;
	v4 =	vadd.s32 v1, v30;
	_ =	sdelay $0x1  }
0x1b6: {  	v3 =	vadd.s32 v1, v3;
	_ =	sdelay $0x2  }
0x1b7: {  	[hbm4b:s4+s5] =	stream.indirect_vreg.scatter [tilespmem:s11], [sflag:$0x1], $0x80, v4, vm1, $0xb8;
	[tilespmem:$0x1C600] =	vst v63  }
0x1b8: {  	_ = 	snop  }
0x1b9: {  	[hbm4b:s4+s5] =	stream.indirect_vreg.scatter [tilespmem:s6], [sflag:$0x1], $0x80, v3, vm1, $0xb8;
	[tilespmem:$0x1C600] =	vst v63  }
0x1ba: {  	v3 =	vld [tilespmem:$0x470];
	_ =	sdelay $0x4  }
0x1bb: {  	v31 =	vperm.xlane v3, v0;
	_ =	sdelay $0x1  }
0x1bc: {  	v3 =	vperm.xlane v3, v2;
	v4 =	vadd.s32 v1, v31;
	_ =	sdelay $0x1  }
0x1bd: {  	v3 =	vadd.s32 v1, v3;
	_ =	sdelay $0x2  }
0x1be: {  	[hbm4b:s4+s5] =	stream.indirect_vreg.scatter [tilespmem:s12], [sflag:$0x1], $0x80, v4, vm1, $0xb8;
	[tilespmem:$0x1C600] =	vst v63  }
0x1bf: {  	_ = 	snop  }
0x1c0: {  	[hbm4b:s4+s5] =	stream.indirect_vreg.scatter [tilespmem:s13], [sflag:$0x1], $0x80, v3, vm1, $0xb8;
	[tilespmem:$0x1C600] =	vst v63  }
0x1c1: {  	_ =	swait.ge [sflag:s14], $0x4000  }
0x1c2: {  	[sflag:s14] =	ssyncset.done $0x0  }
0x1c3: {  	[sflag:s14] =	ssyncadd.s32 $0xFFFFC000  }
0x1c4: {  	v3 =	vld [tilespmem:$0x480];
	_ =	sdelay $0x4  }
0x1c5: {  	v32 =	vperm.xlane v3, v0;
	_ =	sdelay $0x1  }
0x1c6: {  	v3 =	vperm.xlane v3, v2;
	v4 =	vadd.s32 v1, v32;
	_ =	sdelay $0x1  }
0x1c7: {  	v3 =	vadd.s32 v1, v3;
	_ =	sdelay $0x2  }
0x1c8: {  	[hbm4b:s4+s5] =	stream.indirect_vreg.scatter [tilespmem:s21], [sflag:$0x1], $0x80, v4, vm1, $0xb8;
	[tilespmem:$0x1C600] =	vst v63  }
0x1c9: {  	_ = 	snop  }
0x1ca: {  	[hbm4b:s4+s5] =	stream.indirect_vreg.scatter [tilespmem:s22], [sflag:$0x1], $0x80, v3, vm1, $0xb8;
	[tilespmem:$0x1C600] =	vst v63  }
0x1cb: {  	v3 =	vld [tilespmem:$0x490];
	_ =	sdelay $0x4  }
0x1cc: {  	v33 =	vperm.xlane v3, v0;
	_ =	sdelay $0x1  }
0x1cd: {  	v3 =	vperm.xlane v3, v2;
	v4 =	vadd.s32 v1, v33;
	_ =	sdelay $0x1  }
0x1ce: {  	v3 =	vadd.s32 v1, v3;
	_ =	sdelay $0x2  }
0x1cf: {  	[hbm4b:s4+s5] =	stream.indirect_vreg.scatter [tilespmem:s23], [sflag:$0x1], $0x80, v4, vm1, $0xb8;
	[tilespmem:$0x1C600] =	vst v63  }
0x1d0: {  	_ = 	snop  }
0x1d1: {  	[hbm4b:s4+s5] =	stream.indirect_vreg.scatter [tilespmem:s24], [sflag:$0x1], $0x80, v3, vm1, $0xb8;
	[tilespmem:$0x1C600] =	vst v63  }
0x1d2: {  	v3 =	vld [tilespmem:$0x4A0];
	_ =	sdelay $0x4  }
0x1d3: {  	v34 =	vperm.xlane v3, v0;
	_ =	sdelay $0x1  }
0x1d4: {  	v3 =	vperm.xlane v3, v2;
	v4 =	vadd.s32 v1, v34;
	_ =	sdelay $0x1  }
0x1d5: {  	v3 =	vadd.s32 v1, v3;
	_ =	sdelay $0x2  }
0x1d6: {  	[hbm4b:s4+s5] =	stream.indirect_vreg.scatter [tilespmem:s25], [sflag:$0x1], $0x80, v4, vm1, $0xb8;
	[tilespmem:$0x1C600] =	vst v63  }
0x1d7: {  	_ = 	snop  }
0x1d8: {  	[hbm4b:s4+s5] =	stream.indirect_vreg.scatter [tilespmem:s26], [sflag:$0x1], $0x80, v3, vm1, $0xb8;
	[tilespmem:$0x1C600] =	vst v63  }
0x1d9: {  	v3 =	vld [tilespmem:$0x4B0];
	_ =	sdelay $0x4  }
0x1da: {  	v35 =	vperm.xlane v3, v0;
	_ =	sdelay $0x1  }
0x1db: {  	v3 =	vperm.xlane v3, v2;
	v4 =	vadd.s32 v1, v35;
	_ =	sdelay $0x1  }
0x1dc: {  	v3 =	vadd.s32 v1, v3;
	_ =	sdelay $0x2  }
0x1dd: {  	[hbm4b:s4+s5] =	stream.indirect_vreg.scatter [tilespmem:s28], [sflag:$0x1], $0x80, v4, vm1, $0xb8;
	[tilespmem:$0x1C600] =	vst v63  }
0x1de: {  	_ = 	snop  }
0x1df: {  	[hbm4b:s4+s5] =	stream.indirect_vreg.scatter [tilespmem:s29], [sflag:$0x1], $0x80, v3, vm1, $0xb8;
	[tilespmem:$0x1C600] =	vst v63  }
0x1e0: {  	v3 =	vld [tilespmem:$0x4C0];
	_ =	sdelay $0x4  }
0x1e1: {  	v36 =	vperm.xlane v3, v0;
	_ =	sdelay $0x1  }
0x1e2: {  	v3 =	vperm.xlane v3, v2;
	v4 =	vadd.s32 v1, v36;
	_ =	sdelay $0x1  }
0x1e3: {  	v3 =	vadd.s32 v1, v3;
	_ =	sdelay $0x2  }
0x1e4: {  	[hbm4b:s4+s5] =	stream.indirect_vreg.scatter [tilespmem:s30], [sflag:$0x1], $0x80, v4, vm1, $0xb8;
	[tilespmem:$0x1C600] =	vst v63  }
0x1e5: {  	_ = 	snop  }
0x1e6: {  	[hbm4b:s4+s5] =	stream.indirect_vreg.scatter [tilespmem:s31], [sflag:$0x1], $0x80, v3, vm1, $0xb8;
	[tilespmem:$0x1C600] =	vst v63  }
0x1e7: {  	v3 =	vld [tilespmem:$0x4D0];
	_ =	sdelay $0x4  }
0x1e8: {  	v37 =	vperm.xlane v3, v0;
	_ =	sdelay $0x1  }
0x1e9: {  	v3 =	vperm.xlane v3, v2;
	v4 =	vadd.s32 v1, v37;
	_ =	sdelay $0x1  }
0x1ea: {  	v3 =	vadd.s32 v1, v3;
	_ =	sdelay $0x2  }
0x1eb: {  	[hbm4b:s4+s5] =	stream.indirect_vreg.scatter [tilespmem:s3], [sflag:$0x1], $0x80, v4, vm1, $0xb8;
	[tilespmem:$0x1C600] =	vst v63  }
0x1ec: {  	_ = 	snop  }
0x1ed: {  	[hbm4b:s4+s5] =	stream.indirect_vreg.scatter [tilespmem:s1], [sflag:$0x1], $0x80, v3, vm1, $0xb8;
	[tilespmem:$0x1C600] =	vst v63  }
0x1ee: {  	v3 =	vld [tilespmem:$0x4E0];
	_ =	sdelay $0x4  }
0x1ef: {  	v38 =	vperm.xlane v3, v0;
	_ =	sdelay $0x1  }
0x1f0: {  	v3 =	vperm.xlane v3, v2;
	v4 =	vadd.s32 v1, v38;
	_ =	sdelay $0x1  }
0x1f1: {  	v3 =	vadd.s32 v1, v3;
	_ =	sdelay $0x2  }
0x1f2: {  	[hbm4b:s4+s5] =	stream.indirect_vreg.scatter [tilespmem:s11], [sflag:$0x1], $0x80, v4, vm1, $0xb8;
	[tilespmem:$0x1C600] =	vst v63  }
0x1f3: {  	_ = 	snop  }
0x1f4: {  	[hbm4b:s4+s5] =	stream.indirect_vreg.scatter [tilespmem:s6], [sflag:$0x1], $0x80, v3, vm1, $0xb8;
	[tilespmem:$0x1C600] =	vst v63  }
0x1f5: {  	v3 =	vld [tilespmem:$0x4F0];
	_ =	sdelay $0x4  }
0x1f6: {  	v39 =	vperm.xlane v3, v0;
	_ =	sdelay $0x1  }
0x1f7: {  	v3 =	vperm.xlane v3, v2;
	v4 =	vadd.s32 v1, v39;
	_ =	sdelay $0x1  }
0x1f8: {  	v3 =	vadd.s32 v1, v3;
	_ =	sdelay $0x2  }
0x1f9: {  	[hbm4b:s4+s5] =	stream.indirect_vreg.scatter [tilespmem:s12], [sflag:$0x1], $0x80, v4, vm1, $0xb8;
	[tilespmem:$0x1C600] =	vst v63  }
0x1fa: {  	_ = 	snop  }
0x1fb: {  	[hbm4b:s4+s5] =	stream.indirect_vreg.scatter [tilespmem:s13], [sflag:$0x1], $0x80, v3, vm1, $0xb8;
	[tilespmem:$0x1C600] =	vst v63  }
0x1fc: {  	_ =	swait.ge [sflag:s14], $0x4000  }
0x1fd: {  	[sflag:s14] =	ssyncset.done $0x0  }
0x1fe: {  	s9 =	simm.s32 $0x2;
	[sflag:s14] =	ssyncadd.s32 $0xFFFFC000  }
0x1ff: {  	_ =	swait.ge [sflag:s9], $0xC000  }
0x200: {  	[sflag:s9] =	ssyncset.done $0x0  }
0x201: {  	[sflag:s9] =	ssyncadd.s32 $0xFFFF4000  }
0x202: {  	v3 =	vld [tilespmem:$0x200];
	_ =	sdelay $0x4  }
0x203: {  	v40 =	vshrl.u32 v3, $0x3  }
0x204: {  	v4 =	vmul.u32 $0x18, v40  }
0x205: {  	v3 =	vand.u32 $0x7, v3  }
0x206: {  	v3 =	vor.u32 v3, v4  }
0x207: {  	v4 =	vperm.xlane v3, v0;
	_ =	sdelay $0x1  }
0x208: {  	v4 =	vadd.s32 v1, v4;
	_ =	sdelay $0x1  }
0x209: {  	v3 =	vperm.xlane v3, v2;
	_ =	sdelay $0x1  }
0x20a: {  	s26 =	simm.s32 $0xC600;
	v3 =	vadd.s32 v1, v3  }
0x20b: {  	[hbm4b:s2+s5] =	stream.indirect_vreg.scatter [tilespmem:s26], [sflag:$0x2], $0x80, v4, vm0, $0xb8;
	[tilespmem:$0x1C600] =	vst v63  }
0x20c: {  	s3 =	simm.s32 $0xCE00  }
0x20d: {  	[hbm4b:s8+s5] =	stream.indirect_vreg.scatter [tilespmem:s3], [sflag:$0x2], $0x80, v4, vm1, $0xb8;
	[tilespmem:$0x1C600] =	vst v63  }
0x20e: {  	s6 =	simm.s32 $0xD200  }
0x20f: {  	[hbm4b:s2+s5] =	stream.indirect_vreg.scatter [tilespmem:s6], [sflag:$0x2], $0x80, v3, vm0, $0xb8;
	[tilespmem:$0x1C600] =	vst v63  }
0x210: {  	s28 =	simm.s32 $0xDA00  }
0x211: {  	[hbm4b:s8+s5] =	stream.indirect_vreg.scatter [tilespmem:s28], [sflag:$0x2], $0x80, v3, vm1, $0xb8;
	[tilespmem:$0x1C600] =	vst v63  }
0x212: {  	v3 =	vld [tilespmem:$0x210];
	_ =	sdelay $0x4  }
0x213: {  	v41 =	vshrl.u32 v3, $0x3  }
0x214: {  	v4 =	vmul.u32 $0x18, v41  }
0x215: {  	v3 =	vand.u32 $0x7, v3  }
0x216: {  	v3 =	vor.u32 v3, v4  }
0x217: {  	v4 =	vperm.xlane v3, v0;
	_ =	sdelay $0x1  }
0x218: {  	v4 =	vadd.s32 v1, v4;
	_ =	sdelay $0x1  }
0x219: {  	v3 =	vperm.xlane v3, v2;
	_ =	sdelay $0x1  }
0x21a: {  	s11 =	simm.s32 $0xDE00;
	v3 =	vadd.s32 v1, v3  }
0x21b: {  	[hbm4b:s2+s5] =	stream.indirect_vreg.scatter [tilespmem:s11], [sflag:$0x2], $0x80, v4, vm0, $0xb8;
	[tilespmem:$0x1C600] =	vst v63  }
0x21c: {  	s12 =	simm.s32 $0xE600  }
0x21d: {  	[hbm4b:s8+s5] =	stream.indirect_vreg.scatter [tilespmem:s12], [sflag:$0x2], $0x80, v4, vm1, $0xb8;
	[tilespmem:$0x1C600] =	vst v63  }
0x21e: {  	s13 =	simm.s32 $0xEA00  }
0x21f: {  	[hbm4b:s2+s5] =	stream.indirect_vreg.scatter [tilespmem:s13], [sflag:$0x2], $0x80, v3, vm0, $0xb8;
	[tilespmem:$0x1C600] =	vst v63  }
0x220: {  	s15 =	simm.s32 $0xF200  }
0x221: {  	[hbm4b:s8+s5] =	stream.indirect_vreg.scatter [tilespmem:s15], [sflag:$0x2], $0x80, v3, vm1, $0xb8;
	[tilespmem:$0x1C600] =	vst v63  }
0x222: {  	v3 =	vld [tilespmem:$0x220];
	_ =	sdelay $0x4  }
0x223: {  	v42 =	vshrl.u32 v3, $0x3  }
0x224: {  	v4 =	vmul.u32 $0x18, v42  }
0x225: {  	v3 =	vand.u32 $0x7, v3  }
0x226: {  	v3 =	vor.u32 v3, v4  }
0x227: {  	v4 =	vperm.xlane v3, v0;
	_ =	sdelay $0x1  }
0x228: {  	v4 =	vadd.s32 v1, v4;
	_ =	sdelay $0x1  }
0x229: {  	v3 =	vperm.xlane v3, v2;
	_ =	sdelay $0x1  }
0x22a: {  	s14 =	simm.s32 $0xF600;
	v3 =	vadd.s32 v1, v3  }
0x22b: {  	[hbm4b:s2+s5] =	stream.indirect_vreg.scatter [tilespmem:s14], [sflag:$0x2], $0x80, v4, vm0, $0xb8;
	[tilespmem:$0x1C600] =	vst v63  }
0x22c: {  	s17 =	simm.s32 $0xFE00  }
0x22d: {  	[hbm4b:s8+s5] =	stream.indirect_vreg.scatter [tilespmem:s17], [sflag:$0x2], $0x80, v4, vm1, $0xb8;
	[tilespmem:$0x1C600] =	vst v63  }
0x22e: {  	s18 =	simm.s32 $0x10200  }
0x22f: {  	[hbm4b:s2+s5] =	stream.indirect_vreg.scatter [tilespmem:s18], [sflag:$0x2], $0x80, v3, vm0, $0xb8;
	[tilespmem:$0x1C600] =	vst v63  }
0x230: {  	s29 =	simm.s32 $0x10A00  }
0x231: {  	[hbm4b:s8+s5] =	stream.indirect_vreg.scatter [tilespmem:s29], [sflag:$0x2], $0x80, v3, vm1, $0xb8;
	[tilespmem:$0x1C600] =	vst v63  }
0x232: {  	v3 =	vld [tilespmem:$0x230];
	_ =	sdelay $0x4  }
0x233: {  	v43 =	vshrl.u32 v3, $0x3  }
0x234: {  	v4 =	vmul.u32 $0x18, v43  }
0x235: {  	v3 =	vand.u32 $0x7, v3  }
0x236: {  	v3 =	vor.u32 v3, v4  }
0x237: {  	v4 =	vperm.xlane v3, v0;
	_ =	sdelay $0x1  }
0x238: {  	v4 =	vadd.s32 v1, v4;
	_ =	sdelay $0x1  }
0x239: {  	v3 =	vperm.xlane v3, v2;
	_ =	sdelay $0x1  }
0x23a: {  	s19 =	simm.s32 $0x10E00;
	v3 =	vadd.s32 v1, v3  }
0x23b: {  	[hbm4b:s2+s5] =	stream.indirect_vreg.scatter [tilespmem:s19], [sflag:$0x2], $0x80, v4, vm0, $0xb8;
	[tilespmem:$0x1C600] =	vst v63  }
0x23c: {  	s20 =	simm.s32 $0x11600  }
0x23d: {  	[hbm4b:s8+s5] =	stream.indirect_vreg.scatter [tilespmem:s20], [sflag:$0x2], $0x80, v4, vm1, $0xb8;
	[tilespmem:$0x1C600] =	vst v63  }
0x23e: {  	s21 =	simm.s32 $0x11A00  }
0x23f: {  	[hbm4b:s2+s5] =	stream.indirect_vreg.scatter [tilespmem:s21], [sflag:$0x2], $0x80, v3, vm0, $0xb8;
	[tilespmem:$0x1C600] =	vst v63  }
0x240: {  	s16 =	simm.s32 $0x12200  }
0x241: {  	[hbm4b:s8+s5] =	stream.indirect_vreg.scatter [tilespmem:s16], [sflag:$0x2], $0x80, v3, vm1, $0xb8;
	[tilespmem:$0x1C600] =	vst v63  }
0x242: {  	v3 =	vld [tilespmem:$0x240];
	_ =	sdelay $0x4  }
0x243: {  	v44 =	vshrl.u32 v3, $0x3  }
0x244: {  	v4 =	vmul.u32 $0x18, v44  }
0x245: {  	v3 =	vand.u32 $0x7, v3  }
0x246: {  	v3 =	vor.u32 v3, v4  }
0x247: {  	v4 =	vperm.xlane v3, v0;
	_ =	sdelay $0x1  }
0x248: {  	v4 =	vadd.s32 v1, v4;
	_ =	sdelay $0x1  }
0x249: {  	v3 =	vperm.xlane v3, v2;
	_ =	sdelay $0x1  }
0x24a: {  	s22 =	simm.s32 $0x12600;
	v3 =	vadd.s32 v1, v3  }
0x24b: {  	[hbm4b:s2+s5] =	stream.indirect_vreg.scatter [tilespmem:s22], [sflag:$0x2], $0x80, v4, vm0, $0xb8;
	[tilespmem:$0x1C600] =	vst v63  }
0x24c: {  	s23 =	simm.s32 $0x12E00  }
0x24d: {  	[hbm4b:s8+s5] =	stream.indirect_vreg.scatter [tilespmem:s23], [sflag:$0x2], $0x80, v4, vm1, $0xb8;
	[tilespmem:$0x1C600] =	vst v63  }
0x24e: {  	s24 =	simm.s32 $0x13200  }
0x24f: {  	[hbm4b:s2+s5] =	stream.indirect_vreg.scatter [tilespmem:s24], [sflag:$0x2], $0x80, v3, vm0, $0xb8;
	[tilespmem:$0x1C600] =	vst v63  }
0x250: {  	s30 =	simm.s32 $0x13A00  }
0x251: {  	[hbm4b:s8+s5] =	stream.indirect_vreg.scatter [tilespmem:s30], [sflag:$0x2], $0x80, v3, vm1, $0xb8;
	[tilespmem:$0x1C600] =	vst v63  }
0x252: {  	v3 =	vld [tilespmem:$0x250];
	_ =	sdelay $0x4  }
0x253: {  	v45 =	vshrl.u32 v3, $0x3  }
0x254: {  	v4 =	vmul.u32 $0x18, v45  }
0x255: {  	v3 =	vand.u32 $0x7, v3  }
0x256: {  	v3 =	vor.u32 v3, v4  }
0x257: {  	v4 =	vperm.xlane v3, v0;
	_ =	sdelay $0x1  }
0x258: {  	v4 =	vadd.s32 v1, v4;
	_ =	sdelay $0x1  }
0x259: {  	v3 =	vperm.xlane v3, v2;
	_ =	sdelay $0x1  }
0x25a: {  	s25 =	simm.s32 $0x13E00;
	v3 =	vadd.s32 v1, v3  }
0x25b: {  	[hbm4b:s2+s5] =	stream.indirect_vreg.scatter [tilespmem:s25], [sflag:$0x2], $0x80, v4, vm0, $0xb8;
	[tilespmem:$0x1C600] =	vst v63  }
0x25c: {  	s26 =	simm.s32 $0x14600  }
0x25d: {  	[hbm4b:s8+s5] =	stream.indirect_vreg.scatter [tilespmem:s26], [sflag:$0x2], $0x80, v4, vm1, $0xb8;
	[tilespmem:$0x1C600] =	vst v63  }
0x25e: {  	s28 =	simm.s32 $0x14A00  }
0x25f: {  	[hbm4b:s2+s5] =	stream.indirect_vreg.scatter [tilespmem:s28], [sflag:$0x2], $0x80, v3, vm0, $0xb8;
	[tilespmem:$0x1C600] =	vst v63  }
0x260: {  	s31 =	simm.s32 $0x15200  }
0x261: {  	[hbm4b:s8+s5] =	stream.indirect_vreg.scatter [tilespmem:s31], [sflag:$0x2], $0x80, v3, vm1, $0xb8;
	[tilespmem:$0x1C600] =	vst v63  }
0x262: {  	v3 =	vld [tilespmem:$0x260];
	_ =	sdelay $0x4  }
0x263: {  	v46 =	vshrl.u32 v3, $0x3  }
0x264: {  	v4 =	vmul.u32 $0x18, v46  }
0x265: {  	v3 =	vand.u32 $0x7, v3  }
0x266: {  	v3 =	vor.u32 v3, v4  }
0x267: {  	v4 =	vperm.xlane v3, v0;
	_ =	sdelay $0x1  }
0x268: {  	v4 =	vadd.s32 v1, v4;
	_ =	sdelay $0x1  }
0x269: {  	v3 =	vperm.xlane v3, v2;
	_ =	sdelay $0x1  }
0x26a: {  	s29 =	simm.s32 $0x15600;
	v3 =	vadd.s32 v1, v3  }
0x26b: {  	[hbm4b:s2+s5] =	stream.indirect_vreg.scatter [tilespmem:s29], [sflag:$0x2], $0x80, v4, vm0, $0xb8;
	[tilespmem:$0x1C600] =	vst v63  }
0x26c: {  	s30 =	simm.s32 $0x15E00  }
0x26d: {  	[hbm4b:s8+s5] =	stream.indirect_vreg.scatter [tilespmem:s30], [sflag:$0x2], $0x80, v4, vm1, $0xb8;
	[tilespmem:$0x1C600] =	vst v63  }
0x26e: {  	s31 =	simm.s32 $0x16200  }
0x26f: {  	[hbm4b:s2+s5] =	stream.indirect_vreg.scatter [tilespmem:s31], [sflag:$0x2], $0x80, v3, vm0, $0xb8;
	[tilespmem:$0x1C600] =	vst v63  }
0x270: {  	s1 =	simm.s32 $0x16A00  }
0x271: {  	[hbm4b:s8+s5] =	stream.indirect_vreg.scatter [tilespmem:s1], [sflag:$0x2], $0x80, v3, vm1, $0xb8;
	[tilespmem:$0x1C600] =	vst v63  }
0x272: {  	v3 =	vld [tilespmem:$0x270];
	_ =	sdelay $0x4  }
0x273: {  	v47 =	vshrl.u32 v3, $0x3  }
0x274: {  	v4 =	vmul.u32 $0x18, v47  }
0x275: {  	v3 =	vand.u32 $0x7, v3  }
0x276: {  	v3 =	vor.u32 v3, v4  }
0x277: {  	v4 =	vperm.xlane v3, v0;
	_ =	sdelay $0x1  }
0x278: {  	v4 =	vadd.s32 v1, v4;
	_ =	sdelay $0x1  }
0x279: {  	v3 =	vperm.xlane v3, v2;
	_ =	sdelay $0x1  }
0x27a: {  	s15 =	simm.s32 $0x16E00;
	v3 =	vadd.s32 v1, v3  }
0x27b: {  	[hbm4b:s2+s5] =	stream.indirect_vreg.scatter [tilespmem:s15], [sflag:$0x2], $0x80, v4, vm0, $0xb8;
	[tilespmem:$0x1C600] =	vst v63  }
0x27c: {  	s16 =	simm.s32 $0x17600  }
0x27d: {  	[hbm4b:s8+s5] =	stream.indirect_vreg.scatter [tilespmem:s16], [sflag:$0x2], $0x80, v4, vm1, $0xb8;
	[tilespmem:$0x1C600] =	vst v63  }
0x27e: {  	s1 =	simm.s32 $0x17A00  }
0x27f: {  	[hbm4b:s2+s5] =	stream.indirect_vreg.scatter [tilespmem:s1], [sflag:$0x2], $0x80, v3, vm0, $0xb8;
	[tilespmem:$0x1C600] =	vst v63  }
0x280: {  	s1 =	simm.s32 $0x18200  }
0x281: {  	[hbm4b:s8+s5] =	stream.indirect_vreg.scatter [tilespmem:s1], [sflag:$0x2], $0x80, v3, vm1, $0xb8;
	[tilespmem:$0x1C600] =	vst v63  }
0x282: {  	_ =	swait.ge [sflag:s9], $0xC000  }
0x283: {  	[sflag:s9] =	ssyncset.done $0x0  }
0x284: {  	[sflag:s9] =	ssyncadd.s32 $0xFFFF4000  }
0x285: {  	v3 =	vld [tilespmem:$0x280];
	_ =	sdelay $0x4  }
0x286: {  	v48 =	vshrl.u32 v3, $0x3  }
0x287: {  	v4 =	vmul.u32 $0x18, v48  }
0x288: {  	v3 =	vand.u32 $0x7, v3  }
0x289: {  	v3 =	vor.u32 v3, v4  }
0x28a: {  	v4 =	vperm.xlane v3, v0;
	_ =	sdelay $0x1  }
0x28b: {  	v4 =	vadd.s32 v1, v4;
	_ =	sdelay $0x1  }
0x28c: {  	v3 =	vperm.xlane v3, v2;
	_ =	sdelay $0x1  }
0x28d: {  	s1 =	simm.s32 $0xC600;
	v3 =	vadd.s32 v1, v3  }
0x28e: {  	[hbm4b:s2+s5] =	stream.indirect_vreg.scatter [tilespmem:s1], [sflag:$0x2], $0x80, v4, vm0, $0xb8;
	[tilespmem:$0x1C600] =	vst v63  }
0x28f: {  	_ = 	snop  }
0x290: {  	[hbm4b:s8+s5] =	stream.indirect_vreg.scatter [tilespmem:s3], [sflag:$0x2], $0x80, v4, vm1, $0xb8;
	[tilespmem:$0x1C600] =	vst v63  }
0x291: {  	_ = 	snop  }
0x292: {  	[hbm4b:s2+s5] =	stream.indirect_vreg.scatter [tilespmem:s6], [sflag:$0x2], $0x80, v3, vm0, $0xb8;
	[tilespmem:$0x1C600] =	vst v63  }
0x293: {  	s3 =	simm.s32 $0xDA00  }
0x294: {  	[hbm4b:s8+s5] =	stream.indirect_vreg.scatter [tilespmem:s3], [sflag:$0x2], $0x80, v3, vm1, $0xb8;
	[tilespmem:$0x1C600] =	vst v63  }
0x295: {  	v3 =	vld [tilespmem:$0x290];
	_ =	sdelay $0x4  }
0x296: {  	v49 =	vshrl.u32 v3, $0x3  }
0x297: {  	v4 =	vmul.u32 $0x18, v49  }
0x298: {  	v3 =	vand.u32 $0x7, v3  }
0x299: {  	v3 =	vor.u32 v3, v4  }
0x29a: {  	v4 =	vperm.xlane v3, v0;
	_ =	sdelay $0x1  }
0x29b: {  	v4 =	vadd.s32 v1, v4;
	_ =	sdelay $0x1  }
0x29c: {  	v3 =	vperm.xlane v3, v2;
	_ =	sdelay $0x1  }
0x29d: {  	v3 =	vadd.s32 v1, v3  }
0x29e: {  	[hbm4b:s2+s5] =	stream.indirect_vreg.scatter [tilespmem:s11], [sflag:$0x2], $0x80, v4, vm0, $0xb8;
	[tilespmem:$0x1C600] =	vst v63  }
0x29f: {  	_ = 	snop  }
0x2a0: {  	[hbm4b:s8+s5] =	stream.indirect_vreg.scatter [tilespmem:s12], [sflag:$0x2], $0x80, v4, vm1, $0xb8;
	[tilespmem:$0x1C600] =	vst v63  }
0x2a1: {  	_ = 	snop  }
0x2a2: {  	[hbm4b:s2+s5] =	stream.indirect_vreg.scatter [tilespmem:s13], [sflag:$0x2], $0x80, v3, vm0, $0xb8;
	[tilespmem:$0x1C600] =	vst v63  }
0x2a3: {  	s1 =	simm.s32 $0xF200  }
0x2a4: {  	[hbm4b:s8+s5] =	stream.indirect_vreg.scatter [tilespmem:s1], [sflag:$0x2], $0x80, v3, vm1, $0xb8;
	[tilespmem:$0x1C600] =	vst v63  }
0x2a5: {  	v3 =	vld [tilespmem:$0x2A0];
	_ =	sdelay $0x4  }
0x2a6: {  	v50 =	vshrl.u32 v3, $0x3  }
0x2a7: {  	v4 =	vmul.u32 $0x18, v50  }
0x2a8: {  	v3 =	vand.u32 $0x7, v3  }
0x2a9: {  	v3 =	vor.u32 v3, v4  }
0x2aa: {  	v4 =	vperm.xlane v3, v0;
	_ =	sdelay $0x1  }
0x2ab: {  	v4 =	vadd.s32 v1, v4;
	_ =	sdelay $0x1  }
0x2ac: {  	v3 =	vperm.xlane v3, v2;
	_ =	sdelay $0x1  }
0x2ad: {  	v3 =	vadd.s32 v1, v3  }
0x2ae: {  	[hbm4b:s2+s5] =	stream.indirect_vreg.scatter [tilespmem:s14], [sflag:$0x2], $0x80, v4, vm0, $0xb8;
	[tilespmem:$0x1C600] =	vst v63  }
0x2af: {  	_ = 	snop  }
0x2b0: {  	[hbm4b:s8+s5] =	stream.indirect_vreg.scatter [tilespmem:s17], [sflag:$0x2], $0x80, v4, vm1, $0xb8;
	[tilespmem:$0x1C600] =	vst v63  }
0x2b1: {  	_ = 	snop  }
0x2b2: {  	[hbm4b:s2+s5] =	stream.indirect_vreg.scatter [tilespmem:s18], [sflag:$0x2], $0x80, v3, vm0, $0xb8;
	[tilespmem:$0x1C600] =	vst v63  }
0x2b3: {  	s6 =	simm.s32 $0x10A00  }
0x2b4: {  	[hbm4b:s8+s5] =	stream.indirect_vreg.scatter [tilespmem:s6], [sflag:$0x2], $0x80, v3, vm1, $0xb8;
	[tilespmem:$0x1C600] =	vst v63  }
0x2b5: {  	v3 =	vld [tilespmem:$0x2B0];
	_ =	sdelay $0x4  }
0x2b6: {  	v51 =	vshrl.u32 v3, $0x3  }
0x2b7: {  	v4 =	vmul.u32 $0x18, v51  }
0x2b8: {  	v3 =	vand.u32 $0x7, v3  }
0x2b9: {  	v3 =	vor.u32 v3, v4  }
0x2ba: {  	v4 =	vperm.xlane v3, v0;
	_ =	sdelay $0x1  }
0x2bb: {  	v4 =	vadd.s32 v1, v4;
	_ =	sdelay $0x1  }
0x2bc: {  	v3 =	vperm.xlane v3, v2;
	_ =	sdelay $0x1  }
0x2bd: {  	v3 =	vadd.s32 v1, v3  }
0x2be: {  	[hbm4b:s2+s5] =	stream.indirect_vreg.scatter [tilespmem:s19], [sflag:$0x2], $0x80, v4, vm0, $0xb8;
	[tilespmem:$0x1C600] =	vst v63  }
0x2bf: {  	_ = 	snop  }
0x2c0: {  	[hbm4b:s8+s5] =	stream.indirect_vreg.scatter [tilespmem:s20], [sflag:$0x2], $0x80, v4, vm1, $0xb8;
	[tilespmem:$0x1C600] =	vst v63  }
0x2c1: {  	_ = 	snop  }
0x2c2: {  	[hbm4b:s2+s5] =	stream.indirect_vreg.scatter [tilespmem:s21], [sflag:$0x2], $0x80, v3, vm0, $0xb8;
	[tilespmem:$0x1C600] =	vst v63  }
0x2c3: {  	s3 =	simm.s32 $0x12200  }
0x2c4: {  	[hbm4b:s8+s5] =	stream.indirect_vreg.scatter [tilespmem:s3], [sflag:$0x2], $0x80, v3, vm1, $0xb8;
	[tilespmem:$0x1C600] =	vst v63  }
0x2c5: {  	v3 =	vld [tilespmem:$0x2C0];
	_ =	sdelay $0x4  }
0x2c6: {  	v52 =	vshrl.u32 v3, $0x3  }
0x2c7: {  	v4 =	vmul.u32 $0x18, v52  }
0x2c8: {  	v3 =	vand.u32 $0x7, v3  }
0x2c9: {  	v3 =	vor.u32 v3, v4  }
0x2ca: {  	v4 =	vperm.xlane v3, v0;
	_ =	sdelay $0x1  }
0x2cb: {  	v4 =	vadd.s32 v1, v4;
	_ =	sdelay $0x1  }
0x2cc: {  	v3 =	vperm.xlane v3, v2;
	_ =	sdelay $0x1  }
0x2cd: {  	v3 =	vadd.s32 v1, v3  }
0x2ce: {  	[hbm4b:s2+s5] =	stream.indirect_vreg.scatter [tilespmem:s22], [sflag:$0x2], $0x80, v4, vm0, $0xb8;
	[tilespmem:$0x1C600] =	vst v63  }
0x2cf: {  	_ = 	snop  }
0x2d0: {  	[hbm4b:s8+s5] =	stream.indirect_vreg.scatter [tilespmem:s23], [sflag:$0x2], $0x80, v4, vm1, $0xb8;
	[tilespmem:$0x1C600] =	vst v63  }
0x2d1: {  	_ = 	snop  }
0x2d2: {  	[hbm4b:s2+s5] =	stream.indirect_vreg.scatter [tilespmem:s24], [sflag:$0x2], $0x80, v3, vm0, $0xb8;
	[tilespmem:$0x1C600] =	vst v63  }
0x2d3: {  	s11 =	simm.s32 $0x13A00  }
0x2d4: {  	[hbm4b:s8+s5] =	stream.indirect_vreg.scatter [tilespmem:s11], [sflag:$0x2], $0x80, v3, vm1, $0xb8;
	[tilespmem:$0x1C600] =	vst v63  }
0x2d5: {  	v3 =	vld [tilespmem:$0x2D0];
	_ =	sdelay $0x4  }
0x2d6: {  	v53 =	vshrl.u32 v3, $0x3  }
0x2d7: {  	v4 =	vmul.u32 $0x18, v53  }
0x2d8: {  	v3 =	vand.u32 $0x7, v3  }
0x2d9: {  	v3 =	vor.u32 v3, v4  }
0x2da: {  	v4 =	vperm.xlane v3, v0;
	_ =	sdelay $0x1  }
0x2db: {  	v4 =	vadd.s32 v1, v4;
	_ =	sdelay $0x1  }
0x2dc: {  	v3 =	vperm.xlane v3, v2;
	_ =	sdelay $0x1  }
0x2dd: {  	v3 =	vadd.s32 v1, v3  }
0x2de: {  	[hbm4b:s2+s5] =	stream.indirect_vreg.scatter [tilespmem:s25], [sflag:$0x2], $0x80, v4, vm0, $0xb8;
	[tilespmem:$0x1C600] =	vst v63  }
0x2df: {  	_ = 	snop  }
0x2e0: {  	[hbm4b:s8+s5] =	stream.indirect_vreg.scatter [tilespmem:s26], [sflag:$0x2], $0x80, v4, vm1, $0xb8;
	[tilespmem:$0x1C600] =	vst v63  }
0x2e1: {  	_ = 	snop  }
0x2e2: {  	[hbm4b:s2+s5] =	stream.indirect_vreg.scatter [tilespmem:s28], [sflag:$0x2], $0x80, v3, vm0, $0xb8;
	[tilespmem:$0x1C600] =	vst v63  }
0x2e3: {  	s6 =	simm.s32 $0x15200  }
0x2e4: {  	[hbm4b:s8+s5] =	stream.indirect_vreg.scatter [tilespmem:s6], [sflag:$0x2], $0x80, v3, vm1, $0xb8;
	[tilespmem:$0x1C600] =	vst v63  }
0x2e5: {  	v3 =	vld [tilespmem:$0x2E0];
	_ =	sdelay $0x4  }
0x2e6: {  	v54 =	vshrl.u32 v3, $0x3  }
0x2e7: {  	v4 =	vmul.u32 $0x18, v54  }
0x2e8: {  	v3 =	vand.u32 $0x7, v3  }
0x2e9: {  	v3 =	vor.u32 v3, v4  }
0x2ea: {  	v4 =	vperm.xlane v3, v0;
	_ =	sdelay $0x1  }
0x2eb: {  	v4 =	vadd.s32 v1, v4;
	_ =	sdelay $0x1  }
0x2ec: {  	v3 =	vperm.xlane v3, v2;
	_ =	sdelay $0x1  }
0x2ed: {  	v3 =	vadd.s32 v1, v3  }
0x2ee: {  	[hbm4b:s2+s5] =	stream.indirect_vreg.scatter [tilespmem:s29], [sflag:$0x2], $0x80, v4, vm0, $0xb8;
	[tilespmem:$0x1C600] =	vst v63  }
0x2ef: {  	_ = 	snop  }
0x2f0: {  	[hbm4b:s8+s5] =	stream.indirect_vreg.scatter [tilespmem:s30], [sflag:$0x2], $0x80, v4, vm1, $0xb8;
	[tilespmem:$0x1C600] =	vst v63  }
0x2f1: {  	_ = 	snop  }
0x2f2: {  	[hbm4b:s2+s5] =	stream.indirect_vreg.scatter [tilespmem:s31], [sflag:$0x2], $0x80, v3, vm0, $0xb8;
	[tilespmem:$0x1C600] =	vst v63  }
0x2f3: {  	s12 =	simm.s32 $0x16A00  }
0x2f4: {  	[hbm4b:s8+s5] =	stream.indirect_vreg.scatter [tilespmem:s12], [sflag:$0x2], $0x80, v3, vm1, $0xb8;
	[tilespmem:$0x1C600] =	vst v63  }
0x2f5: {  	v3 =	vld [tilespmem:$0x2F0];
	_ =	sdelay $0x4  }
0x2f6: {  	v55 =	vshrl.u32 v3, $0x3  }
0x2f7: {  	v4 =	vmul.u32 $0x18, v55  }
0x2f8: {  	v3 =	vand.u32 $0x7, v3  }
0x2f9: {  	v3 =	vor.u32 v3, v4  }
0x2fa: {  	v4 =	vperm.xlane v3, v0;
	_ =	sdelay $0x1  }
0x2fb: {  	v4 =	vadd.s32 v1, v4;
	_ =	sdelay $0x1  }
0x2fc: {  	v3 =	vperm.xlane v3, v2;
	_ =	sdelay $0x1  }
0x2fd: {  	v3 =	vadd.s32 v1, v3  }
0x2fe: {  	[hbm4b:s2+s5] =	stream.indirect_vreg.scatter [tilespmem:s15], [sflag:$0x2], $0x80, v4, vm0, $0xb8;
	[tilespmem:$0x1C600] =	vst v63  }
0x2ff: {  	_ = 	snop  }
0x300: {  	[hbm4b:s8+s5] =	stream.indirect_vreg.scatter [tilespmem:s16], [sflag:$0x2], $0x80, v4, vm1, $0xb8;
	[tilespmem:$0x1C600] =	vst v63  }
0x301: {  	s11 =	simm.s32 $0x17A00  }
0x302: {  	[hbm4b:s2+s5] =	stream.indirect_vreg.scatter [tilespmem:s11], [sflag:$0x2], $0x80, v3, vm0, $0xb8;
	[tilespmem:$0x1C600] =	vst v63  }
0x303: {  	s12 =	simm.s32 $0x18200  }
0x304: {  	[hbm4b:s8+s5] =	stream.indirect_vreg.scatter [tilespmem:s12], [sflag:$0x2], $0x80, v3, vm1, $0xb8;
	[tilespmem:$0x1C600] =	vst v63  }
0x305: {  	_ =	swait.ge [sflag:s9], $0xC000  }
0x306: {  	[sflag:s9] =	ssyncset.done $0x0  }
0x307: {  	[sflag:s9] =	ssyncadd.s32 $0xFFFF4000  }
0x308: {  	v3 =	vld [tilespmem:$0x300];
	_ =	sdelay $0x4  }
0x309: {  	v56 =	vshrl.u32 v3, $0x3  }
0x30a: {  	v4 =	vmul.u32 $0x18, v56  }
0x30b: {  	v3 =	vand.u32 $0x7, v3  }
0x30c: {  	v3 =	vor.u32 v3, v4  }
0x30d: {  	v4 =	vperm.xlane v3, v0;
	_ =	sdelay $0x1  }
0x30e: {  	v4 =	vadd.s32 v1, v4;
	_ =	sdelay $0x1  }
0x30f: {  	v3 =	vperm.xlane v3, v2;
	_ =	sdelay $0x1  }
0x310: {  	s12 =	simm.s32 $0xC600;
	v3 =	vadd.s32 v1, v3  }
0x311: {  	[hbm4b:s2+s5] =	stream.indirect_vreg.scatter [tilespmem:s12], [sflag:$0x2], $0x80, v4, vm0, $0xb8;
	[tilespmem:$0x1C600] =	vst v63  }
0x312: {  	s12 =	simm.s32 $0xCE00  }
0x313: {  	[hbm4b:s8+s5] =	stream.indirect_vreg.scatter [tilespmem:s12], [sflag:$0x2], $0x80, v4, vm1, $0xb8;
	[tilespmem:$0x1C600] =	vst v63  }
0x314: {  	s12 =	simm.s32 $0xD200  }
0x315: {  	[hbm4b:s2+s5] =	stream.indirect_vreg.scatter [tilespmem:s12], [sflag:$0x2], $0x80, v3, vm0, $0xb8;
	[tilespmem:$0x1C600] =	vst v63  }
0x316: {  	s12 =	simm.s32 $0xDA00  }
0x317: {  	[hbm4b:s8+s5] =	stream.indirect_vreg.scatter [tilespmem:s12], [sflag:$0x2], $0x80, v3, vm1, $0xb8;
	[tilespmem:$0x1C600] =	vst v63  }
0x318: {  	v3 =	vld [tilespmem:$0x310];
	_ =	sdelay $0x4  }
0x319: {  	v57 =	vshrl.u32 v3, $0x3  }
0x31a: {  	v4 =	vmul.u32 $0x18, v57  }
0x31b: {  	v3 =	vand.u32 $0x7, v3  }
0x31c: {  	v3 =	vor.u32 v3, v4  }
0x31d: {  	v4 =	vperm.xlane v3, v0;
	_ =	sdelay $0x1  }
0x31e: {  	v4 =	vadd.s32 v1, v4;
	_ =	sdelay $0x1  }
0x31f: {  	v3 =	vperm.xlane v3, v2;
	_ =	sdelay $0x1  }
0x320: {  	s12 =	simm.s32 $0xDE00;
	v3 =	vadd.s32 v1, v3  }
0x321: {  	[hbm4b:s2+s5] =	stream.indirect_vreg.scatter [tilespmem:s12], [sflag:$0x2], $0x80, v4, vm0, $0xb8;
	[tilespmem:$0x1C600] =	vst v63  }
0x322: {  	s12 =	simm.s32 $0xE600  }
0x323: {  	[hbm4b:s8+s5] =	stream.indirect_vreg.scatter [tilespmem:s12], [sflag:$0x2], $0x80, v4, vm1, $0xb8;
	[tilespmem:$0x1C600] =	vst v63  }
0x324: {  	s13 =	simm.s32 $0xEA00  }
0x325: {  	[hbm4b:s2+s5] =	stream.indirect_vreg.scatter [tilespmem:s13], [sflag:$0x2], $0x80, v3, vm0, $0xb8;
	[tilespmem:$0x1C600] =	vst v63  }
0x326: {  	_ = 	snop  }
0x327: {  	[hbm4b:s8+s5] =	stream.indirect_vreg.scatter [tilespmem:s1], [sflag:$0x2], $0x80, v3, vm1, $0xb8;
	[tilespmem:$0x1C600] =	vst v63  }
0x328: {  	v3 =	vld [tilespmem:$0x320];
	_ =	sdelay $0x4  }
0x329: {  	v58 =	vshrl.u32 v3, $0x3  }
0x32a: {  	v4 =	vmul.u32 $0x18, v58  }
0x32b: {  	v3 =	vand.u32 $0x7, v3  }
0x32c: {  	v3 =	vor.u32 v3, v4  }
0x32d: {  	v4 =	vperm.xlane v3, v0;
	_ =	sdelay $0x1  }
0x32e: {  	v4 =	vadd.s32 v1, v4;
	_ =	sdelay $0x1  }
0x32f: {  	v3 =	vperm.xlane v3, v2;
	_ =	sdelay $0x1  }
0x330: {  	s14 =	simm.s32 $0xF600;
	v3 =	vadd.s32 v1, v3  }
0x331: {  	[hbm4b:s2+s5] =	stream.indirect_vreg.scatter [tilespmem:s14], [sflag:$0x2], $0x80, v4, vm0, $0xb8;
	[tilespmem:$0x1C600] =	vst v63  }
0x332: {  	s17 =	simm.s32 $0xFE00  }
0x333: {  	[hbm4b:s8+s5] =	stream.indirect_vreg.scatter [tilespmem:s17], [sflag:$0x2], $0x80, v4, vm1, $0xb8;
	[tilespmem:$0x1C600] =	vst v63  }
0x334: {  	s18 =	simm.s32 $0x10200  }
0x335: {  	[hbm4b:s2+s5] =	stream.indirect_vreg.scatter [tilespmem:s18], [sflag:$0x2], $0x80, v3, vm0, $0xb8;
	[tilespmem:$0x1C600] =	vst v63  }
0x336: {  	s18 =	simm.s32 $0x10A00  }
0x337: {  	[hbm4b:s8+s5] =	stream.indirect_vreg.scatter [tilespmem:s18], [sflag:$0x2], $0x80, v3, vm1, $0xb8;
	[tilespmem:$0x1C600] =	vst v63  }
0x338: {  	v3 =	vld [tilespmem:$0x330];
	_ =	sdelay $0x4  }
0x339: {  	v59 =	vshrl.u32 v3, $0x3  }
0x33a: {  	v4 =	vmul.u32 $0x18, v59  }
0x33b: {  	v3 =	vand.u32 $0x7, v3  }
0x33c: {  	v3 =	vor.u32 v3, v4  }
0x33d: {  	v4 =	vperm.xlane v3, v0;
	_ =	sdelay $0x1  }
0x33e: {  	v4 =	vadd.s32 v1, v4;
	_ =	sdelay $0x1  }
0x33f: {  	v3 =	vperm.xlane v3, v2;
	_ =	sdelay $0x1  }
0x340: {  	s19 =	simm.s32 $0x10E00;
	v3 =	vadd.s32 v1, v3  }
0x341: {  	[hbm4b:s2+s5] =	stream.indirect_vreg.scatter [tilespmem:s19], [sflag:$0x2], $0x80, v4, vm0, $0xb8;
	[tilespmem:$0x1C600] =	vst v63  }
0x342: {  	s20 =	simm.s32 $0x11600  }
0x343: {  	[hbm4b:s8+s5] =	stream.indirect_vreg.scatter [tilespmem:s20], [sflag:$0x2], $0x80, v4, vm1, $0xb8;
	[tilespmem:$0x1C600] =	vst v63  }
0x344: {  	s21 =	simm.s32 $0x11A00  }
0x345: {  	[hbm4b:s2+s5] =	stream.indirect_vreg.scatter [tilespmem:s21], [sflag:$0x2], $0x80, v3, vm0, $0xb8;
	[tilespmem:$0x1C600] =	vst v63  }
0x346: {  	_ = 	snop  }
0x347: {  	[hbm4b:s8+s5] =	stream.indirect_vreg.scatter [tilespmem:s3], [sflag:$0x2], $0x80, v3, vm1, $0xb8;
	[tilespmem:$0x1C600] =	vst v63  }
0x348: {  	v3 =	vld [tilespmem:$0x340];
	_ =	sdelay $0x4  }
0x349: {  	v60 =	vshrl.u32 v3, $0x3  }
0x34a: {  	v4 =	vmul.u32 $0x18, v60  }
0x34b: {  	v3 =	vand.u32 $0x7, v3  }
0x34c: {  	v3 =	vor.u32 v3, v4  }
0x34d: {  	v4 =	vperm.xlane v3, v0;
	_ =	sdelay $0x1  }
0x34e: {  	v4 =	vadd.s32 v1, v4;
	_ =	sdelay $0x1  }
0x34f: {  	v3 =	vperm.xlane v3, v2;
	_ =	sdelay $0x1  }
0x350: {  	s22 =	simm.s32 $0x12600;
	v3 =	vadd.s32 v1, v3  }
0x351: {  	[hbm4b:s2+s5] =	stream.indirect_vreg.scatter [tilespmem:s22], [sflag:$0x2], $0x80, v4, vm0, $0xb8;
	[tilespmem:$0x1C600] =	vst v63  }
0x352: {  	s23 =	simm.s32 $0x12E00  }
0x353: {  	[hbm4b:s8+s5] =	stream.indirect_vreg.scatter [tilespmem:s23], [sflag:$0x2], $0x80, v4, vm1, $0xb8;
	[tilespmem:$0x1C600] =	vst v63  }
0x354: {  	s24 =	simm.s32 $0x13200  }
0x355: {  	[hbm4b:s2+s5] =	stream.indirect_vreg.scatter [tilespmem:s24], [sflag:$0x2], $0x80, v3, vm0, $0xb8;
	[tilespmem:$0x1C600] =	vst v63  }
0x356: {  	s19 =	simm.s32 $0x13A00  }
0x357: {  	[hbm4b:s8+s5] =	stream.indirect_vreg.scatter [tilespmem:s19], [sflag:$0x2], $0x80, v3, vm1, $0xb8;
	[tilespmem:$0x1C600] =	vst v63  }
0x358: {  	v3 =	vld [tilespmem:$0x350];
	_ =	sdelay $0x4  }
0x359: {  	v61 =	vshrl.u32 v3, $0x3  }
0x35a: {  	v4 =	vmul.u32 $0x18, v61  }
0x35b: {  	v3 =	vand.u32 $0x7, v3  }
0x35c: {  	v3 =	vor.u32 v3, v4  }
0x35d: {  	v4 =	vperm.xlane v3, v0;
	_ =	sdelay $0x1  }
0x35e: {  	v4 =	vadd.s32 v1, v4;
	_ =	sdelay $0x1  }
0x35f: {  	v3 =	vperm.xlane v3, v2;
	_ =	sdelay $0x1  }
0x360: {  	s25 =	simm.s32 $0x13E00;
	v3 =	vadd.s32 v1, v3  }
0x361: {  	[hbm4b:s2+s5] =	stream.indirect_vreg.scatter [tilespmem:s25], [sflag:$0x2], $0x80, v4, vm0, $0xb8;
	[tilespmem:$0x1C600] =	vst v63  }
0x362: {  	s26 =	simm.s32 $0x14600  }
0x363: {  	[hbm4b:s8+s5] =	stream.indirect_vreg.scatter [tilespmem:s26], [sflag:$0x2], $0x80, v4, vm1, $0xb8;
	[tilespmem:$0x1C600] =	vst v63  }
0x364: {  	s28 =	simm.s32 $0x14A00  }
0x365: {  	[hbm4b:s2+s5] =	stream.indirect_vreg.scatter [tilespmem:s28], [sflag:$0x2], $0x80, v3, vm0, $0xb8;
	[tilespmem:$0x1C600] =	vst v63  }
0x366: {  	_ = 	snop  }
0x367: {  	[hbm4b:s8+s5] =	stream.indirect_vreg.scatter [tilespmem:s6], [sflag:$0x2], $0x80, v3, vm1, $0xb8;
	[tilespmem:$0x1C600] =	vst v63  }
0x368: {  	v3 =	vld [tilespmem:$0x360];
	_ =	sdelay $0x4  }
0x369: {  	v62 =	vshrl.u32 v3, $0x3  }
0x36a: {  	v4 =	vmul.u32 $0x18, v62  }
0x36b: {  	v3 =	vand.u32 $0x7, v3  }
0x36c: {  	v3 =	vor.u32 v3, v4  }
0x36d: {  	v4 =	vperm.xlane v3, v0;
	_ =	sdelay $0x1  }
0x36e: {  	v4 =	vadd.s32 v1, v4;
	_ =	sdelay $0x1  }
0x36f: {  	v3 =	vperm.xlane v3, v2;
	_ =	sdelay $0x1  }
0x370: {  	s29 =	simm.s32 $0x15600;
	v3 =	vadd.s32 v1, v3  }
0x371: {  	[hbm4b:s2+s5] =	stream.indirect_vreg.scatter [tilespmem:s29], [sflag:$0x2], $0x80, v4, vm0, $0xb8;
	[tilespmem:$0x1C600] =	vst v63  }
0x372: {  	s30 =	simm.s32 $0x15E00  }
0x373: {  	[hbm4b:s8+s5] =	stream.indirect_vreg.scatter [tilespmem:s30], [sflag:$0x2], $0x80, v4, vm1, $0xb8;
	[tilespmem:$0x1C600] =	vst v63  }
0x374: {  	s31 =	simm.s32 $0x16200  }
0x375: {  	[hbm4b:s2+s5] =	stream.indirect_vreg.scatter [tilespmem:s31], [sflag:$0x2], $0x80, v3, vm0, $0xb8;
	[tilespmem:$0x1C600] =	vst v63  }
0x376: {  	s20 =	simm.s32 $0x16A00  }
0x377: {  	[hbm4b:s8+s5] =	stream.indirect_vreg.scatter [tilespmem:s20], [sflag:$0x2], $0x80, v3, vm1, $0xb8;
	[tilespmem:$0x1C600] =	vst v63  }
0x378: {  	v3 =	vld [tilespmem:$0x370];
	_ =	sdelay $0x4  }
0x379: {  	v63 =	vshrl.u32 v3, $0x3  }
0x37a: {  	v4 =	vmul.u32 $0x18, v63  }
0x37b: {  	v3 =	vand.u32 $0x7, v3  }
0x37c: {  	v3 =	vor.u32 v3, v4  }
0x37d: {  	v4 =	vperm.xlane v3, v0;
	_ =	sdelay $0x1  }
0x37e: {  	v4 =	vadd.s32 v1, v4;
	_ =	sdelay $0x1  }
0x37f: {  	v3 =	vperm.xlane v3, v2;
	_ =	sdelay $0x1  }
0x380: {  	s15 =	simm.s32 $0x16E00;
	v3 =	vadd.s32 v1, v3  }
0x381: {  	[hbm4b:s2+s5] =	stream.indirect_vreg.scatter [tilespmem:s15], [sflag:$0x2], $0x80, v4, vm0, $0xb8;
	[tilespmem:$0x1C600] =	vst v63  }
0x382: {  	s16 =	simm.s32 $0x17600  }
0x383: {  	[hbm4b:s8+s5] =	stream.indirect_vreg.scatter [tilespmem:s16], [sflag:$0x2], $0x80, v4, vm1, $0xb8;
	[tilespmem:$0x1C600] =	vst v63  }
0x384: {  	_ = 	snop  }
0x385: {  	[hbm4b:s2+s5] =	stream.indirect_vreg.scatter [tilespmem:s11], [sflag:$0x2], $0x80, v3, vm0, $0xb8;
	[tilespmem:$0x1C600] =	vst v63  }
0x386: {  	s21 =	simm.s32 $0x18200  }
0x387: {  	[hbm4b:s8+s5] =	stream.indirect_vreg.scatter [tilespmem:s21], [sflag:$0x2], $0x80, v3, vm1, $0xb8;
	[tilespmem:$0x1C600] =	vst v63  }
0x388: {  	_ =	swait.ge [sflag:s9], $0xC000  }
0x389: {  	[sflag:s9] =	ssyncset.done $0x0  }
0x38a: {  	s22 =	simm.s32 $0x3;
	[sflag:s9] =	ssyncadd.s32 $0xFFFF4000  }
0x38b: {  	_ =	swait.ge [sflag:s22], $0x4000  }
0x38c: {  	s23 =	sld [smem:$0x7ED]  }
0x38d: {  	s24 =	simm.s32 $0x400;
	[sflag:s22] =	ssyncset.done $0x0  }
0x38e: {  	s25 =	simm.s32 $0xC00;
	s26 =	simm.s32 $0x18600;
	[sflag:s22] =	ssyncadd.s32 $0xFFFFC000  }
0x38f: {  	[hbm4b:s23+s24] =	stream.strided.scatter [tilespmem:s26], [sflag:$0x4], $0x4000, s25, s24, $0x38;
	[tilespmem:$0x1C600] =	vst v63  }
0x390: {  	_ =	swait.ge [sflag:s10], $0x4000  }
0x391: {  	[sflag:s10] =	ssyncset.done $0x0  }
0x392: {  	s28 =	rddreg [dreg:$0xc];
	[sflag:s10] =	ssyncadd.s32 $0xFFFFC000  }
0x393: {  	[hbm4b:s28+s24] =	stream.strided.scatter [tilespmem:s26], [sflag:$0x4], $0x4000, s25, s24, $0x38;
	[tilespmem:$0x1C600] =	vst v63  }
0x394: {  	_ =	swait.ge [sflag:s10], $0x4000  }
0x395: {  	s31 =	sld [smem:$0x7EC];
	_ =	sdelay $0x2  }
0x396: {  	s29 =	simm.s32 $0x18600;
	[sflag:s10] =	ssyncset.done $0x0;
	p0 =	sne.s32 s31, $0x1  }
.Ltmp0:
0x397: {  	s30 =	rddreg [dreg:$0xd];
	[sflag:s10] =	ssyncadd.s32 $0xFFFFC000;
	(pc) =	sbr.rel @p0 .LBB2_1-.Ltmp0, $4  }
0x398: {  	[hbm4b:s30+s24] =	stream.strided.scatter [tilespmem:s29], [sflag:$0x4], $0x4000, s25, s24, $0x38;
	[tilespmem:$0x1C600] =	vst v63  }
0x399: {  	_ =	swait.ge [sflag:s10], $0x4000  }
0x39a: {  	[sflag:s10] =	ssyncset.done $0x0  }
0x39b: {  	s3 =	sadd.s32 $0xFFFFFFFF, s31;
	[sflag:s10] =	ssyncadd.s32 $0xFFFFC000  }
0x39c: {  	_ =	sfence.sel $0x180000  }
0x39d: {  	[bflag:$0x0] =	sbarrier.arrive $0xFFFF  }
0x39e: {  	_ =	strace $0x90000047  }
0x39f: {  	s0 =	stileid.u32;
	[bflag:$0x2] =	sbarrier.arrive $0xFFFF  }
0x3a0: {  	p0 =	sne.s32 s0, $0x0;
	s0 =	rddreg [dreg:$0x7]  }
0x3a1: {  	s0 =	sadd.s32 @!p0 $0x100000, s0  }
0x3a2: {  	[sflag:s0] =	ssyncadd.tile.s32 @!p0 $0x1;
	_ =	shalt  }
.Lfunc_end2:
_tile_overlayer_lowered:
.L_overlay_start_2:
0x3a3: {  	(tag) =	ssettag $0x2  }
0x3a4: {  	s0 =	rddreg [dreg:$0x0];
	s2 =	stileid.u32  }
0x3a5: {  	s1 =	rddreg [dreg:$0x1];
	p0 =	sne.s32 s2, $0x0  }
0x3a6: {  	s3 =	rddreg [dreg:$0x2];
	[bflag:$0x3] =	sbarrier.arrive $0xFFFF;
	s2 =	simm.s32 @!p0 $0x1C04  }
0x3a7: {  	[timem:s3], [sflag:s2] =	dma.local @!p0 [hbm:s0], s1  }
0x3a8: {  	s0 =	simm.s32 @!p0 $0x4  }
0x3a9: {  	_ =	swait.ge @!p0 [sflag:s0], s1  }
0x3aa: {  	s1 =	ssub.s32 @!p0 $0x0, s1;
	[sflag:s0] =	ssyncset.done @!p0 $0x0  }
0x3ab: {  	[sflag:s0] =	ssyncadd.s32 @!p0 s1  }
0x3ac: {  	[bflag:$0x3] =	sbarrier.arrive $0xFFFF  }
0x3ad: {  	_ =	shalt  }

</sc_bundles>
